<compile_context>
chip_gen: v7x
topology: tpu7x:2x2x1
jax: 0.10.2.dev20260603
libtpu: 0.0.44.dev20260713+nightly
codegen_flags: <defaults>
</compile_context>

<pallas_src>
import jax
import jax.numpy as jnp
from jax.experimental import pallas as pl

_W = 20
_H = 20
_WH = _W * _H
_S = 61
_PC = 145
_MO = 8
_NT = 8 * _MO
_CT = _PC + 1 + 1 + _NT


def _label_kernel(x_ref, lab_ref):
    x = x_ref[...]
    fg = x != 0
    row = jax.lax.broadcasted_iota(jnp.int32, (_W, _H), 0)
    col = jax.lax.broadcasted_iota(jnp.int32, (_W, _H), 1)
    bg = jnp.int32(_WH)
    lab0 = jnp.where(fg, row * _H + col, bg)
    colpad = jnp.full((_W, 1), bg, jnp.int32)
    rowpad = jnp.full((1, _H), bg, jnp.int32)

    def body(i, lab):
        dn = jnp.concatenate([lab[1:, :], rowpad], axis=0)
        up = jnp.concatenate([rowpad, lab[:-1, :]], axis=0)
        rt = jnp.concatenate([lab[:, 1:], colpad], axis=1)
        lf = jnp.concatenate([colpad, lab[:, :-1]], axis=1)
        nb = jnp.minimum(jnp.minimum(up, dn), jnp.minimum(lf, rt))
        return jnp.where(fg, jnp.minimum(lab, nb), bg)

    lab_ref[...] = jax.lax.fori_loop(0, _WH, body, lab0)


def _diag_kernel(p2f_ref, cpt_ref, big_ref):
    e = pl.program_id(0)
    slabf = p2f_ref[0]
    base = (e - 19) * _H
    for yi in range(_W):
        big_ref[0, yi, :, 0:_PC] = slabf[30 - yi:50 - yi, :]
        s = base - yi
        s = jax.lax.rem(s, _WH + 1)
        s = jnp.where(s < 0, s + _WH + 1, s)
        big_ref[0, yi, :, _PC + 2:_CT] = cpt_ref[pl.ds(s, _H), :]
    big_ref[0, :, :, _PC:_PC + 2] = jnp.zeros((_W, _H, 2), jnp.float32)


def _main_kernel(big_ref, xa_ref, xb_ref, cma_ref, cmb_ref, out_ref):
    e = pl.program_id(1) - pl.program_id(0) + 19
    out_ref[0, :, 0, :, :] = big_ref[pl.ds(e, 1), :, :, :].reshape(_W, _H, _CT)

    xa = xa_ref[0]
    xb = xb_ref[0]
    eq = (xa.T == xb).astype(jnp.float32)
    out_ref[0, :, 0, :, _PC:_PC + 1] = eq.reshape(_W, _H, 1)

    cma = cma_ref[0]
    cmb = cmb_ref[0]
    ov = jax.lax.dot_general(cma, cmb, (((0,), (0,)), ((), ())),
                             preferred_element_type=jnp.float32)
    out_ref[0, :, 0, :, _PC + 1:_PC + 2] = ov.reshape(_W, _H, 1)


def kernel(x, patterns):
    if x.ndim == 3:
        x = x[0]
    x = x.astype(jnp.int32)
    patterns = patterns.astype(jnp.float32)

    lab = pl.pallas_call(
        _label_kernel,
        out_shape=jax.ShapeDtypeStruct((_W, _H), jnp.int32),
    )(x)

    counts = jnp.bincount(lab.reshape(-1), length=_WH + 1)
    sizes = counts[:_WH].astype(jnp.int32)
    labels = jnp.arange(_WH, dtype=jnp.int32)
    key = jnp.where(sizes > 1, (_WH + 1 - sizes) * _WH + labels,
                    (_WH + 2) * _WH + labels)
    order = jnp.argsort(key)
    sel = order[:_MO]
    valid = sizes[sel] > 1
    masks = ((lab[None, :, :] == sel[:, None, None])
             & valid[:, None, None]).astype(jnp.float32)

    def topleft(m):
        r0 = jnp.argmax(jnp.any(m > 0, axis=1))
        c0 = jnp.argmax(jnp.any(m > 0, axis=0))
        return jnp.roll(m, (-r0, -c0), axis=(0, 1))

    def transforms(m):
        t = m.T
        vs = [m, m[::-1, :], m[:, ::-1], m[::-1, ::-1],
              t, t[::-1, :], t[:, ::-1], t[::-1, ::-1]]
        return jnp.stack([topleft(v) for v in vs], axis=0)

    c = jax.vmap(transforms)(masks).reshape(_NT, _WH)
    cpad = jnp.pad(c, ((0, 0), (0, 1)))
    cpt = cpad.T
    cpt2 = jnp.concatenate([cpt, cpt], axis=0)

    p2 = patterns.reshape(_S, _S, _PC)[:, ::-1, :]
    x3 = x.reshape(_W, 1, _H)
    cmr = masks.reshape(_MO, _W, _H).transpose(1, 0, 2)

    big = pl.pallas_call(
        _diag_kernel,
        grid=(39,),
        in_specs=[
            pl.BlockSpec((1, _S, _PC), lambda e: (49 - e, 0, 0)),
            pl.BlockSpec((2 * (_WH + 1), _NT), lambda e: (0, 0)),
        ],
        out_specs=pl.BlockSpec((1, _W, _H, _CT), lambda e: (e, 0, 0, 0)),
        out_shape=jax.ShapeDtypeStruct((39, _W, _H, _CT), jnp.float32),
    )(p2, cpt2)

    out5 = pl.pallas_call(
        _main_kernel,
        grid=(_W, _W),
        in_specs=[
            pl.BlockSpec((39, _W, _H, _CT), lambda i, j: (0, 0, 0, 0)),
            pl.BlockSpec((1, 1, _H), lambda i, j: (i, 0, 0)),
            pl.BlockSpec((1, 1, _H), lambda i, j: (j, 0, 0)),
            pl.BlockSpec((1, _MO, _H), lambda i, j: (i, 0, 0)),
            pl.BlockSpec((1, _MO, _H), lambda i, j: (j, 0, 0)),
        ],
        out_specs=pl.BlockSpec((1, _H, 1, _H, _CT),
                               lambda i, j: (i, 0, j, 0, 0)),
        out_shape=jax.ShapeDtypeStruct((_W, _H, _W, _H, _CT), jnp.float32),
    )(big, x3, x3, cmr, cmr)

    return out5.reshape(_WH, _WH, _CT)

# --- scband reference (transcript-rebuilt; emitter-appended) ---
"""Pipeline reference for scband-prior-calculation-85512798864088 (READ-ONLY COPY).

The authoritative reference and input builder live on the scoring server;
editing this copy changes nothing except your own understanding.
"""

import jax, jax.numpy as jnp
import numpy as np

CW = 30
CH = 30
NUM_COLORS = 10
MAX_NUM_OBJECTS = 8


def make_patterns(size=(2 * CW + 1, 2 * CH + 1)):
    s0, s1 = size
    cw = (s0 - 1) // 2
    ch = (s1 - 1) // 2
    indices = np.arange(s0)
    rev_indices = indices[::-1]
    dist = indices - cw
    position = np.stack([np.repeat(dist[:, None], s1, axis=1), np.repeat(dist[None, :], s1, axis=0)], axis=0)
    one_hot_positions = np.eye(s0, dtype=np.float32)
    w_positions = np.repeat(one_hot_positions[None, :, :], s0, axis=0)
    h_positions = np.repeat(one_hot_positions[:, None, :], s0, axis=1)
    positions = np.concatenate([w_positions, h_positions], axis=2)
    patterns = []
    horizontal_line = np.zeros(size, dtype=np.float32); horizontal_line[:, ch] = 1.0; patterns.append(horizontal_line)
    vertical_line = np.zeros(size, dtype=np.float32); vertical_line[cw, :] = 1.0; patterns.append(vertical_line)
    d1 = np.zeros(size, dtype=np.float32); d1[indices, indices] = 1.0; patterns.append(d1)
    d2 = np.zeros(size, dtype=np.float32); d2[indices, rev_indices] = 1.0; patterns.append(d2)
    cb = np.zeros(s0 * s1, dtype=np.float32); cb[::2] = 1.0; cb = cb.reshape(size); patterns.append(cb)
    patterns.append(1.0 - cb)
    patterns.append((np.abs(position[0]) + np.abs(position[1])).astype(np.float32))
    patterns.append(np.max(np.abs(position), axis=0).astype(np.float32))
    patterns.append(np.min(np.abs(position), axis=0).astype(np.float32))
    for i in range(2, 5):
        stripes = np.repeat((dist % i == 0).astype(np.float32)[:, None], s1, axis=1)
        patterns.append(stripes)
        patterns.append(stripes.T.copy())
    pv = np.repeat(dist[:, None], s1, axis=1).astype(np.float32)
    patterns.append(pv)
    patterns.append(cw - pv)
    patterns.append(pv.T.copy())
    patterns.append((cw - pv).T.copy())
    quadrant = ((position[0] >= 0) & (position[1] >= 0)).astype(np.float32)
    patterns.append(quadrant)
    patterns.append(quadrant[::-1, :].copy())
    patterns.append(quadrant[:, ::-1].copy())
    patterns.append(quadrant[::-1, ::-1].copy())
    patterns = np.stack(patterns, axis=2)
    full = np.concatenate([positions, patterns], axis=2)
    return full.reshape(-1, full.shape[2])


def extract_objects(grid):
    g = grid.copy()
    w, h = g.shape
    objs = []
    for x in range(w):
        for y in range(h):
            if g[x, y] == 0:
                continue
            cur = np.zeros_like(g)
            stack = [(x, y)]
            while stack:
                a, b = stack.pop()
                if a < 0 or a >= w or b < 0 or b >= h:
                    continue
                if g[a, b] == 0:
                    continue
                g[a, b] = 0
                cur[a, b] = 1
                stack += [(a - 1, b), (a + 1, b), (a, b - 1), (a, b + 1)]
            if cur.sum() > 1:
                objs.append(cur)
    out = []
    for obj in objs:
        xr = obj.sum(axis=1) > 0
        yr = obj.sum(axis=0) > 0
        cropped = obj[xr][:, yr].copy()
        out.append((obj, cropped))
    return out


def setup_inputs(seed: int = 0) -> dict:
    key = jax.random.key(seed)
    x = jax.random.randint(key, (20, 20), 0, 2, dtype=jnp.int32)
    patterns = jnp.asarray(make_patterns())
    return {"x": x, "patterns": patterns}


def reference(x, patterns):
    if x.ndim == 3:
        x = x[0]
    w, h = x.shape
    pos = np.stack(np.meshgrid(np.arange(w), np.arange(h), indexing='ij'), axis=2).reshape(-1, 2)
    ap = pos[:, None, :] - pos[None, :, :]
    ap0 = ap[..., 0] + CW
    ap1 = ap[..., 1] + CH
    att_idx = (ap0 * (2 * CH + 1) + ap1).reshape(-1)
    patterns_prior = jnp.take(patterns, jnp.asarray(att_idx), axis=0).reshape(w, h, w, h, -1)
    one_hot_x = jax.nn.one_hot(x, NUM_COLORS, dtype=jnp.float32).reshape(w * h, NUM_COLORS)
    color_prior = jnp.take(one_hot_x, x.reshape(-1), axis=1).reshape(w, h, w, h, 1).astype(jnp.float32)
    wh = w * h
    fg = x != 0
    lab0 = jnp.where(fg, jnp.arange(wh, dtype=jnp.int32).reshape(w, h), jnp.int32(wh))

    def propagate(i, lab):
        p = jnp.pad(lab, 1, constant_values=wh)
        nb = jnp.minimum(jnp.minimum(p[:-2, 1:-1], p[2:, 1:-1]),
                         jnp.minimum(p[1:-1, :-2], p[1:-1, 2:]))
        return jnp.where(fg, jnp.minimum(lab, nb), jnp.int32(wh))

    lab = jax.lax.fori_loop(0, wh, propagate, lab0)
    counts = jnp.bincount(lab.reshape(-1), length=wh + 1)
    sizes = counts[:wh].astype(jnp.int32)
    labels = jnp.arange(wh, dtype=jnp.int32)
    key = jnp.where(sizes > 1, (wh + 1 - sizes) * wh + labels, (wh + 2) * wh + labels)
    order = jnp.argsort(key)
    sel = order[:MAX_NUM_OBJECTS]
    valid = sizes[sel] > 1
    masks = ((lab[None, :, :] == sel[:, None, None]) & valid[:, None, None]).astype(jnp.float32)
    cm = masks.reshape(MAX_NUM_OBJECTS, wh)
    complete_objects_prior = (cm.T @ cm).reshape(w, h, w, h, 1).astype(jnp.float32)

    def topleft(m):
        r0 = jnp.argmax(jnp.any(m > 0, axis=1))
        c0 = jnp.argmax(jnp.any(m > 0, axis=0))
        return jnp.roll(m, (-r0, -c0), axis=(0, 1))

    def transforms(m):
        t = m.T
        vs = [m, m[::-1, :], m[:, ::-1], m[::-1, ::-1], t, t[::-1, :], t[:, ::-1], t[::-1, ::-1]]
        return jnp.stack([topleft(v) for v in vs], axis=0)

    c = jax.vmap(transforms)(masks).reshape(-1, w, h)
    sk = jnp.pad(c.reshape(-1, wh), ((0, 0), (0, 1)))
    sk = jnp.repeat(sk[:, None, :], wh, axis=1).reshape(-1, wh + 1, wh)
    extracted_objects_prior = sk[:, :wh, :].reshape(-1, w, h, w, h).transpose(1, 2, 3, 4, 0).astype(jnp.float32)
    all_priors = jnp.concatenate([patterns_prior, color_prior, complete_objects_prior, extracted_objects_prior], axis=4)
    return all_priors.reshape(w * h, w * h, -1)

if __name__ == "__main__":
    import jax
    _d = setup_inputs()
    print(jax.jit(kernel)(*tuple(_d.values())))

</pallas_src>

<mosaic_0001>
module attributes {stable_mosaic.version = 14 : i64} {
  func.func @_label_kernel(%arg0: memref<20x20xi32, #tpu.memory_space<vmem>>, %arg1: memref<20x20xi32, #tpu.memory_space<vmem>>) attributes {dimension_semantics = [], scalar_prefetch = 0 : i64, scratch_operands = 0 : i64, tpu.core_type = #tpu.core_type<tc>} {
    %get3A = arith.constant 0 : index
    %get3A_0 = arith.constant 0 : index
    %get3A_1 = vector.load %arg0[%get3A, %get3A_0] : memref<20x20xi32, #tpu.memory_space<vmem>>, vector<20x20xi32>
    %ne3A = arith.constant 0 : i32
    %ne3A_2 = vector.broadcast %ne3A : i32 to vector<20x20xi32>
    %ne3A_3 = arith.cmpi ne, %get3A_1, %ne3A_2 : vector<20x20xi32>
    %iota3A = tpu.iota {dimensions = array<i32: 0>} : vector<20x20xi32>
    %iota3A_4 = tpu.iota {dimensions = array<i32: 1>} : vector<20x20xi32>
    %mul3A = arith.constant 20 : i32
    %mul3A_5 = vector.broadcast %mul3A : i32 to vector<20x20xi32>
    %mul3A_6 = arith.muli %iota3A, %mul3A_5 : vector<20x20xi32>
    %add3A = arith.addi %mul3A_6, %iota3A_4 : vector<20x20xi32>
    %jit3A = arith.constant 400 : i32
    %broadcast_in_dim3A = vector.broadcast %jit3A : i32 to vector<20x20xi32>
    %select_n3A = arith.select %ne3A_3, %add3A, %broadcast_in_dim3A : vector<20x20xi1>, vector<20x20xi32>
    %broadcast_in_dim3A_7 = arith.constant 400 : i32
    %broadcast_in_dim3A_8 = vector.broadcast %broadcast_in_dim3A_7 : i32 to vector<20x1xi32>
    %broadcast_in_dim3A_9 = arith.constant 400 : i32
    %broadcast_in_dim3A_10 = vector.broadcast %broadcast_in_dim3A_9 : i32 to vector<1x20xi32>
    %scan3A = arith.constant 400 : i32
    %scan3A_11 = arith.constant 0 : i32
    %scan3A_12 = arith.constant 400 : i32
    %scan3A_13 = arith.addi %scan3A_11, %scan3A_12 : i32
    %scan3A_14 = arith.constant 1 : i32
    %scan3A_15 = scf.for %scan3A_18 = %scan3A_11 to %scan3A_13 step %scan3A_14 iter_args(%scan3A_19 = %select_n3A) -> (vector<20x20xi32>)  : i32 {
      %slice3A = vector.extract_strided_slice %scan3A_19 {offsets = [1, 0], sizes = [19, 20], strides = [1, 1]} : vector<20x20xi32> to vector<19x20xi32>
      %concatenate3A = tpu.concatenate %slice3A, %broadcast_in_dim3A_10 in 0 : vector<19x20xi32>, vector<1x20xi32> -> vector<20x20xi32>
      %slice3A_20 = vector.extract_strided_slice %scan3A_19 {offsets = [0, 0], sizes = [19, 20], strides = [1, 1]} : vector<20x20xi32> to vector<19x20xi32>
      %concatenate3A_21 = tpu.concatenate %broadcast_in_dim3A_10, %slice3A_20 in 0 : vector<1x20xi32>, vector<19x20xi32> -> vector<20x20xi32>
      %slice3A_22 = vector.extract_strided_slice %scan3A_19 {offsets = [0, 1], sizes = [20, 19], strides = [1, 1]} : vector<20x20xi32> to vector<20x19xi32>
      %concatenate3A_23 = tpu.concatenate %slice3A_22, %broadcast_in_dim3A_8 in 1 : vector<20x19xi32>, vector<20x1xi32> -> vector<20x20xi32>
      %slice3A_24 = vector.extract_strided_slice %scan3A_19 {offsets = [0, 0], sizes = [20, 19], strides = [1, 1]} : vector<20x20xi32> to vector<20x19xi32>
      %concatenate3A_25 = tpu.concatenate %broadcast_in_dim3A_8, %slice3A_24 in 1 : vector<20x1xi32>, vector<20x19xi32> -> vector<20x20xi32>
      %min3A = arith.minsi %concatenate3A_21, %concatenate3A : vector<20x20xi32>
      %min3A_26 = arith.minsi %concatenate3A_25, %concatenate3A_23 : vector<20x20xi32>
      %min3A_27 = arith.minsi %min3A, %min3A_26 : vector<20x20xi32>
      %min3A_28 = arith.minsi %scan3A_19, %min3A_27 : vector<20x20xi32>
      %broadcast_in_dim3A_29 = vector.broadcast %scan3A : i32 to vector<20x20xi32>
      %select_n3A_30 = arith.select %ne3A_3, %min3A_28, %broadcast_in_dim3A_29 : vector<20x20xi1>, vector<20x20xi32>
      scf.yield %select_n3A_30 : vector<20x20xi32>
    }
    %swap3A = arith.constant 0 : index
    %swap3A_16 = arith.constant 0 : index
    %swap3A_17 = vector.load %arg1[%swap3A, %swap3A_16] : memref<20x20xi32, #tpu.memory_space<vmem>>, vector<20x20xi32>
    tpu.vector_store %arg1[%swap3A, %swap3A_16], %scan3A_15 {strides = array<i32>} : memref<20x20xi32, #tpu.memory_space<vmem>>, vector<20x20xi32>,
    return
  }
}

module attributes {stable_mosaic.version = 14 : i64} {
  func.func @_main_kernel(%arg0: i32, %arg1: i32, %arg2: memref<39x20x20x211xf32, #tpu.memory_space<vmem>>, %arg3: memref<1x1x20xi32, #tpu.memory_space<vmem>>, %arg4: memref<1x1x20xi32, #tpu.memory_space<vmem>>, %arg5: memref<1x8x20xf32, #tpu.memory_space<vmem>>, %arg6: memref<1x8x20xf32, #tpu.memory_space<vmem>>, %arg7: memref<1x20x1x20x211xf32, #tpu.memory_space<vmem>>) attributes {dimension_semantics = [#tpu.dimension_semantics<arbitrary>, #tpu.dimension_semantics<arbitrary>], iteration_bounds = array<i64: 20, 20>, scalar_prefetch = 0 : i64, scratch_operands = 0 : i64, tpu.core_type = #tpu.core_type<tc>, window_params = [{pipeline_mode = #tpu.pipeline_mode<synchronous>, transform_indices = @transform_0, window_bounds = array<i64: 39, 20, 20, 211>}, {transform_indices = @transform_1, window_bounds = array<i64: 1, 1, 20>}, {transform_indices = @transform_2, window_bounds = array<i64: 1, 1, 20>}, {transform_indices = @transform_3, window_bounds = array<i64: 1, 8, 20>}, {transform_indices = @transform_4, window_bounds = array<i64: 1, 8, 20>}, {transform_indices = @transform_5, window_bounds = array<i64: 1, 20, 1, 20, 211>}]} {
    %sub3A = arith.subi %arg1, %arg0 : i32
    %add3A = arith.constant 19 : i32
    %add3A_0 = arith.addi %sub3A, %add3A : i32
    %get3A = arith.index_cast %add3A_0 : i32 to index
    %get3A_1 = arith.constant 0 : index
    %get3A_2 = arith.constant 0 : index
    %get3A_3 = arith.constant 0 : index
    %get3A_4 = vector.load %arg2[%get3A, %get3A_1, %get3A_2, %get3A_3] : memref<39x20x20x211xf32, #tpu.memory_space<vmem>>, vector<1x20x20x211xf32>
    %reshape3A = vector.shape_cast %get3A_4 : vector<1x20x20x211xf32> to vector<20x20x211xf32>
    %swap3A = arith.constant 0 : index
    %swap3A_5 = arith.constant 0 : index
    %swap3A_6 = arith.constant 0 : index
    %swap3A_7 = arith.constant 0 : index
    %swap3A_8 = arith.constant 0 : index
    %swap3A_9 = vector.load %arg7[%swap3A, %swap3A_5, %swap3A_6, %swap3A_7, %swap3A_8] : memref<1x20x1x20x211xf32, #tpu.memory_space<vmem>>, vector<1x20x1x20x211xf32>
    %swap3A_10 = vector.shape_cast %swap3A_9 : vector<1x20x1x20x211xf32> to vector<20x20x211xf32>
    %swap3A_11 = vector.shape_cast %reshape3A : vector<20x20x211xf32> to vector<1x20x1x20x211xf32>
    tpu.vector_store %arg7[%swap3A, %swap3A_5, %swap3A_6, %swap3A_7, %swap3A_8], %swap3A_11 {strides = array<i32>} : memref<1x20x1x20x211xf32, #tpu.memory_space<vmem>>, vector<1x20x1x20x211xf32>,
    %get3A_12 = arith.constant 0 : index
    %get3A_13 = arith.constant 0 : index
    %get3A_14 = arith.constant 0 : index
    %get3A_15 = vector.load %arg3[%get3A_12, %get3A_13, %get3A_14] : memref<1x1x20xi32, #tpu.memory_space<vmem>>, vector<1x1x20xi32>
    %get3A_16 = vector.shape_cast %get3A_15 : vector<1x1x20xi32> to vector<1x20xi32>
    %get3A_17 = arith.constant 0 : index
    %get3A_18 = arith.constant 0 : index
    %get3A_19 = arith.constant 0 : index
    %get3A_20 = vector.load %arg4[%get3A_17, %get3A_18, %get3A_19] : memref<1x1x20xi32, #tpu.memory_space<vmem>>, vector<1x1x20xi32>
    %get3A_21 = vector.shape_cast %get3A_20 : vector<1x1x20xi32> to vector<1x20xi32>
    %transpose3A = tpu.transpose %get3A_16, [1, 0] : vector<1x20xi32> -> vector<20x1xi32>
    %eq3A = vector.broadcast %transpose3A : vector<20x1xi32> to vector<20x20xi32>
    %eq3A_22 = vector.broadcast %get3A_21 : vector<1x20xi32> to vector<20x20xi32>
    %eq3A_23 = arith.cmpi eq, %eq3A, %eq3A_22 : vector<20x20xi32>
    %convert_element_type3A = arith.extui %eq3A_23 : vector<20x20xi1> to vector<20x20xi32>
    %convert_element_type3A_24 = arith.sitofp %convert_element_type3A : vector<20x20xi32> to vector<20x20xf32>
    %reshape3A_25 = vector.shape_cast %convert_element_type3A_24 : vector<20x20xf32> to vector<20x20x1xf32>
    %swap3A_26 = arith.constant 0 : index
    %swap3A_27 = arith.constant 0 : index
    %swap3A_28 = arith.constant 0 : index
    %swap3A_29 = arith.constant 0 : index
    %swap3A_30 = arith.constant 145 : index
    %swap3A_31 = vector.load %arg7[%swap3A_26, %swap3A_27, %swap3A_28, %swap3A_29, %swap3A_30] : memref<1x20x1x20x211xf32, #tpu.memory_space<vmem>>, vector<1x20x1x20x1xf32>
    %swap3A_32 = vector.shape_cast %swap3A_31 : vector<1x20x1x20x1xf32> to vector<20x20x1xf32>
    %swap3A_33 = vector.shape_cast %reshape3A_25 : vector<20x20x1xf32> to vector<1x20x1x20x1xf32>
    tpu.vector_store %arg7[%swap3A_26, %swap3A_27, %swap3A_28, %swap3A_29, %swap3A_30], %swap3A_33 {strides = array<i32>} : memref<1x20x1x20x211xf32, #tpu.memory_space<vmem>>, vector<1x20x1x20x1xf32>,
    %get3A_34 = arith.constant 0 : index
    %get3A_35 = arith.constant 0 : index
    %get3A_36 = arith.constant 0 : index
    %get3A_37 = vector.load %arg5[%get3A_34, %get3A_35, %get3A_36] : memref<1x8x20xf32, #tpu.memory_space<vmem>>, vector<1x8x20xf32>
    %get3A_38 = vector.shape_cast %get3A_37 : vector<1x8x20xf32> to vector<8x20xf32>
    %get3A_39 = arith.constant 0 : index
    %get3A_40 = arith.constant 0 : index
    %get3A_41 = arith.constant 0 : index
    %get3A_42 = vector.load %arg6[%get3A_39, %get3A_40, %get3A_41] : memref<1x8x20xf32, #tpu.memory_space<vmem>>, vector<1x8x20xf32>
    %get3A_43 = vector.shape_cast %get3A_42 : vector<1x8x20xf32> to vector<8x20xf32>
    %dot_general3A = arith.constant dense<0.000000e+00> : vector<20x20xf32>
    %dot_general3A_44 = tpu.matmul %get3A_38, %get3A_43, %dot_general3A {dimension_numbers = #tpu.dot_dimension_numbers<[0], [0], [1], [1], [0, 1, 1, 1], [], []>, transpose_lhs_hint = false} : vector<8x20xf32>, vector<8x20xf32>, vector<20x20xf32> -> vector<20x20xf32>
    %reshape3A_45 = vector.shape_cast %dot_general3A_44 : vector<20x20xf32> to vector<20x20x1xf32>
    %swap3A_46 = arith.constant 0 : index
    %swap3A_47 = arith.constant 0 : index
    %swap3A_48 = arith.constant 0 : index
    %swap3A_49 = arith.constant 0 : index
    %swap3A_50 = arith.constant 146 : index
    %swap3A_51 = vector.load %arg7[%swap3A_46, %swap3A_47, %swap3A_48, %swap3A_49, %swap3A_50] : memref<1x20x1x20x211xf32, #tpu.memory_space<vmem>>, vector<1x20x1x20x1xf32>
    %swap3A_52 = vector.shape_cast %swap3A_51 : vector<1x20x1x20x1xf32> to vector<20x20x1xf32>
    %swap3A_53 = vector.shape_cast %reshape3A_45 : vector<20x20x1xf32> to vector<1x20x1x20x1xf32>
    tpu.vector_store %arg7[%swap3A_46, %swap3A_47, %swap3A_48, %swap3A_49, %swap3A_50], %swap3A_53 {strides = array<i32>} : memref<1x20x1x20x211xf32, #tpu.memory_space<vmem>>, vector<1x20x1x20x1xf32>,
    return
  }
  func.func @transform_0(%arg0: i32, %arg1: i32) -> (i32, i32, i32, i32) {
    %c0_i32 = arith.constant 0 : i32
    %c0_i32_0 = arith.constant 0 : i32
    %c0_i32_1 = arith.constant 0 : i32
    %c0_i32_2 = arith.constant 0 : i32
    %c0_i32_3 = arith.constant 0 : i32
    return %c0_i32, %c0_i32_0, %c0_i32_1, %c0_i32_2 : i32, i32, i32, i32
  }
  func.func @transform_1(%arg0: i32, %arg1: i32) -> (i32, i32, i32) {
    %c0_i32 = arith.constant 0 : i32
    %c0_i32_0 = arith.constant 0 : i32
    %c0_i32_1 = arith.constant 0 : i32
    return %arg0, %c0_i32, %c0_i32_0 : i32, i32, i32
  }
  func.func @transform_2(%arg0: i32, %arg1: i32) -> (i32, i32, i32) {
    %c0_i32 = arith.constant 0 : i32
    %c0_i32_0 = arith.constant 0 : i32
    %c0_i32_1 = arith.constant 0 : i32
    return %arg1, %c0_i32, %c0_i32_0 : i32, i32, i32
  }
  func.func @transform_3(%arg0: i32, %arg1: i32) -> (i32, i32, i32) {
    %c0_i32 = arith.constant 0 : i32
    %c0_i32_0 = arith.constant 0 : i32
    %c0_i32_1 = arith.constant 0 : i32
    return %arg0, %c0_i32, %c0_i32_0 : i32, i32, i32
  }
  func.func @transform_4(%arg0: i32, %arg1: i32) -> (i32, i32, i32) {
    %c0_i32 = arith.constant 0 : i32
    %c0_i32_0 = arith.constant 0 : i32
    %c0_i32_1 = arith.constant 0 : i32
    return %arg1, %c0_i32, %c0_i32_0 : i32, i32, i32
  }
  func.func @transform_5(%arg0: i32, %arg1: i32) -> (i32, i32, i32, i32, i32) {
    %c0_i32 = arith.constant 0 : i32
    %c0_i32_0 = arith.constant 0 : i32
    %c0_i32_1 = arith.constant 0 : i32
    %c0_i32_2 = arith.constant 0 : i32
    return %arg0, %c0_i32, %arg1, %c0_i32_0, %c0_i32_1 : i32, i32, i32, i32, i32
  }
}

module attributes {stable_mosaic.version = 14 : i64} {
  func.func @_diag_kernel(%arg0: i32, %arg1: memref<1x61x145xf32, #tpu.memory_space<vmem>>, %arg2: memref<802x64xf32, #tpu.memory_space<vmem>>, %arg3: memref<1x20x20x211xf32, #tpu.memory_space<vmem>>) attributes {dimension_semantics = [#tpu.dimension_semantics<arbitrary>], iteration_bounds = array<i64: 39>, scalar_prefetch = 0 : i64, scratch_operands = 0 : i64, tpu.core_type = #tpu.core_type<tc>, window_params = [{transform_indices = @transform_0, window_bounds = array<i64: 1, 61, 145>}, {pipeline_mode = #tpu.pipeline_mode<synchronous>, transform_indices = @transform_1, window_bounds = array<i64: 802, 64>}, {transform_indices = @transform_2, window_bounds = array<i64: 1, 20, 20, 211>}]} {
    %get3A = arith.constant 0 : index
    %get3A_0 = arith.constant 0 : index
    %get3A_1 = arith.constant 0 : index
    %get3A_2 = vector.load %arg1[%get3A, %get3A_0, %get3A_1] : memref<1x61x145xf32, #tpu.memory_space<vmem>>, vector<1x61x145xf32>
    %get3A_3 = vector.shape_cast %get3A_2 : vector<1x61x145xf32> to vector<61x145xf32>
    %sub3A = arith.constant 19 : i32
    %sub3A_4 = arith.subi %arg0, %sub3A : i32
    %mul3A = arith.constant 20 : i32
    %mul3A_5 = arith.muli %sub3A_4, %mul3A : i32
    %slice3A = vector.extract_strided_slice %get3A_3 {offsets = [30, 0], sizes = [20, 145], strides = [1, 1]} : vector<61x145xf32> to vector<20x145xf32>
    %swap3A = arith.constant 0 : index
    %swap3A_6 = arith.constant 0 : index
    %swap3A_7 = arith.constant 0 : index
    %swap3A_8 = arith.constant 0 : index
    %swap3A_9 = vector.load %arg3[%swap3A, %swap3A_6, %swap3A_7, %swap3A_8] : memref<1x20x20x211xf32, #tpu.memory_space<vmem>>, vector<1x1x20x145xf32>
    %swap3A_10 = vector.shape_cast %swap3A_9 : vector<1x1x20x145xf32> to vector<20x145xf32>
    %swap3A_11 = vector.shape_cast %slice3A : vector<20x145xf32> to vector<1x1x20x145xf32>
    tpu.vector_store %arg3[%swap3A, %swap3A_6, %swap3A_7, %swap3A_8], %swap3A_11 {strides = array<i32>} : memref<1x20x20x211xf32, #tpu.memory_space<vmem>>, vector<1x1x20x145xf32>,
    %sub3A_12 = arith.constant 0 : i32
    %sub3A_13 = arith.subi %mul3A_5, %sub3A_12 : i32
    %rem3A = arith.constant 401 : i32
    %rem3A_14 = arith.remsi %sub3A_13, %rem3A : i32
    %lt3A = arith.constant 0 : i32
    %lt3A_15 = arith.cmpi slt, %rem3A_14, %lt3A : i32
    %add3A = arith.constant 400 : i32
    %add3A_16 = arith.addi %rem3A_14, %add3A : i32
    %add3A_17 = arith.constant 1 : i32
    %add3A_18 = arith.addi %add3A_16, %add3A_17 : i32
    %select_n3A = arith.select %lt3A_15, %add3A_18, %rem3A_14 : i32
    %get3A_19 = arith.index_cast %select_n3A : i32 to index
    %get3A_20 = arith.constant 0 : index
    %get3A_21 = vector.load %arg2[%get3A_19, %get3A_20] : memref<802x64xf32, #tpu.memory_space<vmem>>, vector<20x64xf32>
    %swap3A_22 = arith.constant 0 : index
    %swap3A_23 = arith.constant 0 : index
    %swap3A_24 = arith.constant 0 : index
    %swap3A_25 = arith.constant 147 : index
    %swap3A_26 = vector.load %arg3[%swap3A_22, %swap3A_23, %swap3A_24, %swap3A_25] : memref<1x20x20x211xf32, #tpu.memory_space<vmem>>, vector<1x1x20x64xf32>
    %swap3A_27 = vector.shape_cast %swap3A_26 : vector<1x1x20x64xf32> to vector<20x64xf32>
    %swap3A_28 = vector.shape_cast %get3A_21 : vector<20x64xf32> to vector<1x1x20x64xf32>
    tpu.vector_store %arg3[%swap3A_22, %swap3A_23, %swap3A_24, %swap3A_25], %swap3A_28 {strides = array<i32>} : memref<1x20x20x211xf32, #tpu.memory_space<vmem>>, vector<1x1x20x64xf32>,
    %slice3A_29 = vector.extract_strided_slice %get3A_3 {offsets = [29, 0], sizes = [20, 145], strides = [1, 1]} : vector<61x145xf32> to vector<20x145xf32>
    %swap3A_30 = arith.constant 0 : index
    %swap3A_31 = arith.constant 1 : index
    %swap3A_32 = arith.constant 0 : index
    %swap3A_33 = arith.constant 0 : index
    %swap3A_34 = vector.load %arg3[%swap3A_30, %swap3A_31, %swap3A_32, %swap3A_33] : memref<1x20x20x211xf32, #tpu.memory_space<vmem>>, vector<1x1x20x145xf32>
    %swap3A_35 = vector.shape_cast %swap3A_34 : vector<1x1x20x145xf32> to vector<20x145xf32>
    %swap3A_36 = vector.shape_cast %slice3A_29 : vector<20x145xf32> to vector<1x1x20x145xf32>
    tpu.vector_store %arg3[%swap3A_30, %swap3A_31, %swap3A_32, %swap3A_33], %swap3A_36 {strides = array<i32>} : memref<1x20x20x211xf32, #tpu.memory_space<vmem>>, vector<1x1x20x145xf32>,
    %sub3A_37 = arith.constant 1 : i32
    %sub3A_38 = arith.subi %mul3A_5, %sub3A_37 : i32
    %rem3A_39 = arith.constant 401 : i32
    %rem3A_40 = arith.remsi %sub3A_38, %rem3A_39 : i32
    %lt3A_41 = arith.constant 0 : i32
    %lt3A_42 = arith.cmpi slt, %rem3A_40, %lt3A_41 : i32
    %add3A_43 = arith.constant 400 : i32
    %add3A_44 = arith.addi %rem3A_40, %add3A_43 : i32
    %add3A_45 = arith.constant 1 : i32
    %add3A_46 = arith.addi %add3A_44, %add3A_45 : i32
    %select_n3A_47 = arith.select %lt3A_42, %add3A_46, %rem3A_40 : i32
    %get3A_48 = arith.index_cast %select_n3A_47 : i32 to index
    %get3A_49 = arith.constant 0 : index
    %get3A_50 = vector.load %arg2[%get3A_48, %get3A_49] : memref<802x64xf32, #tpu.memory_space<vmem>>, vector<20x64xf32>
    %swap3A_51 = arith.constant 0 : index
    %swap3A_52 = arith.constant 1 : index
    %swap3A_53 = arith.constant 0 : index
    %swap3A_54 = arith.constant 147 : index
    %swap3A_55 = vector.load %arg3[%swap3A_51, %swap3A_52, %swap3A_53, %swap3A_54] : memref<1x20x20x211xf32, #tpu.memory_space<vmem>>, vector<1x1x20x64xf32>
    %swap3A_56 = vector.shape_cast %swap3A_55 : vector<1x1x20x64xf32> to vector<20x64xf32>
    %swap3A_57 = vector.shape_cast %get3A_50 : vector<20x64xf32> to vector<1x1x20x64xf32>
    tpu.vector_store %arg3[%swap3A_51, %swap3A_52, %swap3A_53, %swap3A_54], %swap3A_57 {strides = array<i32>} : memref<1x20x20x211xf32, #tpu.memory_space<vmem>>, vector<1x1x20x64xf32>,
    %slice3A_58 = vector.extract_strided_slice %get3A_3 {offsets = [28, 0], sizes = [20, 145], strides = [1, 1]} : vector<61x145xf32> to vector<20x145xf32>
    %swap3A_59 = arith.constant 0 : index
    %swap3A_60 = arith.constant 2 : index
    %swap3A_61 = arith.constant 0 : index
    %swap3A_62 = arith.constant 0 : index
    %swap3A_63 = vector.load %arg3[%swap3A_59, %swap3A_60, %swap3A_61, %swap3A_62] : memref<1x20x20x211xf32, #tpu.memory_space<vmem>>, vector<1x1x20x145xf32>
    %swap3A_64 = vector.shape_cast %swap3A_63 : vector<1x1x20x145xf32> to vector<20x145xf32>
    %swap3A_65 = vector.shape_cast %slice3A_58 : vector<20x145xf32> to vector<1x1x20x145xf32>
    tpu.vector_store %arg3[%swap3A_59, %swap3A_60, %swap3A_61, %swap3A_62], %swap3A_65 {strides = array<i32>} : memref<1x20x20x211xf32, #tpu.memory_space<vmem>>, vector<1x1x20x145xf32>,
    %sub3A_66 = arith.constant 2 : i32
    %sub3A_67 = arith.subi %mul3A_5, %sub3A_66 : i32
    %rem3A_68 = arith.constant 401 : i32
    %rem3A_69 = arith.remsi %sub3A_67, %rem3A_68 : i32
    %lt3A_70 = arith.constant 0 : i32
    %lt3A_71 = arith.cmpi slt, %rem3A_69, %lt3A_70 : i32
    %add3A_72 = arith.constant 400 : i32
    %add3A_73 = arith.addi %rem3A_69, %add3A_72 : i32
    %add3A_74 = arith.constant 1 : i32
    %add3A_75 = arith.addi %add3A_73, %add3A_74 : i32
    %select_n3A_76 = arith.select %lt3A_71, %add3A_75, %rem3A_69 : i32
    %get3A_77 = arith.index_cast %select_n3A_76 : i32 to index
    %get3A_78 = arith.constant 0 : index
    %get3A_79 = vector.load %arg2[%get3A_77, %get3A_78] : memref<802x64xf32, #tpu.memory_space<vmem>>, vector<20x64xf32>
    %swap3A_80 = arith.constant 0 : index
    %swap3A_81 = arith.constant 2 : index
    %swap3A_82 = arith.constant 0 : index
    %swap3A_83 = arith.constant 147 : index
    %swap3A_84 = vector.load %arg3[%swap3A_80, %swap3A_81, %swap3A_82, %swap3A_83] : memref<1x20x20x211xf32, #tpu.memory_space<vmem>>, vector<1x1x20x64xf32>
    %swap3A_85 = vector.shape_cast %swap3A_84 : vector<1x1x20x64xf32> to vector<20x64xf32>
    %swap3A_86 = vector.shape_cast %get3A_79 : vector<20x64xf32> to vector<1x1x20x64xf32>
    tpu.vector_store %arg3[%swap3A_80, %swap3A_81, %swap3A_82, %swap3A_83], %swap3A_86 {strides = array<i32>} : memref<1x20x20x211xf32, #tpu.memory_space<vmem>>, vector<1x1x20x64xf32>,
    %slice3A_87 = vector.extract_strided_slice %get3A_3 {offsets = [27, 0], sizes = [20, 145], strides = [1, 1]} : vector<61x145xf32> to vector<20x145xf32>
    %swap3A_88 = arith.constant 0 : index
    %swap3A_89 = arith.constant 3 : index
    %swap3A_90 = arith.constant 0 : index
    %swap3A_91 = arith.constant 0 : index
    %swap3A_92 = vector.load %arg3[%swap3A_88, %swap3A_89, %swap3A_90, %swap3A_91] : memref<1x20x20x211xf32, #tpu.memory_space<vmem>>, vector<1x1x20x145xf32>
    %swap3A_93 = vector.shape_cast %swap3A_92 : vector<1x1x20x145xf32> to vector<20x145xf32>
    %swap3A_94 = vector.shape_cast %slice3A_87 : vector<20x145xf32> to vector<1x1x20x145xf32>
    tpu.vector_store %arg3[%swap3A_88, %swap3A_89, %swap3A_90, %swap3A_91], %swap3A_94 {strides = array<i32>} : memref<1x20x20x211xf32, #tpu.memory_space<vmem>>, vector<1x1x20x145xf32>,
    %sub3A_95 = arith.constant 3 : i32
    %sub3A_96 = arith.subi %mul3A_5, %sub3A_95 : i32
    %rem3A_97 = arith.constant 401 : i32
    %rem3A_98 = arith.remsi %sub3A_96, %rem3A_97 : i32
    %lt3A_99 = arith.constant 0 : i32
    %lt3A_100 = arith.cmpi slt, %rem3A_98, %lt3A_99 : i32
    %add3A_101 = arith.constant 400 : i32
    %add3A_102 = arith.addi %rem3A_98, %add3A_101 : i32
    %add3A_103 = arith.constant 1 : i32
    %add3A_104 = arith.addi %add3A_102, %add3A_103 : i32
    %select_n3A_105 = arith.select %lt3A_100, %add3A_104, %rem3A_98 : i32
    %get3A_106 = arith.index_cast %select_n3A_105 : i32 to index
    %get3A_107 = arith.constant 0 : index
    %get3A_108 = vector.load %arg2[%get3A_106, %get3A_107] : memref<802x64xf32, #tpu.memory_space<vmem>>, vector<20x64xf32>
    %swap3A_109 = arith.constant 0 : index
    %swap3A_110 = arith.constant 3 : index
    %swap3A_111 = arith.constant 0 : index
    %swap3A_112 = arith.constant 147 : index
    %swap3A_113 = vector.load %arg3[%swap3A_109, %swap3A_110, %swap3A_111, %swap3A_112] : memref<1x20x20x211xf32, #tpu.memory_space<vmem>>, vector<1x1x20x64xf32>
    %swap3A_114 = vector.shape_cast %swap3A_113 : vector<1x1x20x64xf32> to vector<20x64xf32>
    %swap3A_115 = vector.shape_cast %get3A_108 : vector<20x64xf32> to vector<1x1x20x64xf32>
    tpu.vector_store %arg3[%swap3A_109, %swap3A_110, %swap3A_111, %swap3A_112], %swap3A_115 {strides = array<i32>} : memref<1x20x20x211xf32, #tpu.memory_space<vmem>>, vector<1x1x20x64xf32>,
    %slice3A_116 = vector.extract_strided_slice %get3A_3 {offsets = [26, 0], sizes = [20, 145], strides = [1, 1]} : vector<61x145xf32> to vector<20x145xf32>
    %swap3A_117 = arith.constant 0 : index
    %swap3A_118 = arith.constant 4 : index
    %swap3A_119 = arith.constant 0 : index
    %swap3A_120 = arith.constant 0 : index
    %swap3A_121 = vector.load %arg3[%swap3A_117, %swap3A_118, %swap3A_119, %swap3A_120] : memref<1x20x20x211xf32, #tpu.memory_space<vmem>>, vector<1x1x20x145xf32>
    %swap3A_122 = vector.shape_cast %swap3A_121 : vector<1x1x20x145xf32> to vector<20x145xf32>
    %swap3A_123 = vector.shape_cast %slice3A_116 : vector<20x145xf32> to vector<1x1x20x145xf32>
    tpu.vector_store %arg3[%swap3A_117, %swap3A_118, %swap3A_119, %swap3A_120], %swap3A_123 {strides = array<i32>} : memref<1x20x20x211xf32, #tpu.memory_space<vmem>>, vector<1x1x20x145xf32>,
    %sub3A_124 = arith.constant 4 : i32
    %sub3A_125 = arith.subi %mul3A_5, %sub3A_124 : i32
    %rem3A_126 = arith.constant 401 : i32
    %rem3A_127 = arith.remsi %sub3A_125, %rem3A_126 : i32
    %lt3A_128 = arith.constant 0 : i32
    %lt3A_129 = arith.cmpi slt, %rem3A_127, %lt3A_128 : i32
    %add3A_130 = arith.constant 400 : i32
    %add3A_131 = arith.addi %rem3A_127, %add3A_130 : i32
    %add3A_132 = arith.constant 1 : i32
    %add3A_133 = arith.addi %add3A_131, %add3A_132 : i32
    %select_n3A_134 = arith.select %lt3A_129, %add3A_133, %rem3A_127 : i32
    %get3A_135 = arith.index_cast %select_n3A_134 : i32 to index
    %get3A_136 = arith.constant 0 : index
    %get3A_137 = vector.load %arg2[%get3A_135, %get3A_136] : memref<802x64xf32, #tpu.memory_space<vmem>>, vector<20x64xf32>
    %swap3A_138 = arith.constant 0 : index
    %swap3A_139 = arith.constant 4 : index
    %swap3A_140 = arith.constant 0 : index
    %swap3A_141 = arith.constant 147 : index
    %swap3A_142 = vector.load %arg3[%swap3A_138, %swap3A_139, %swap3A_140, %swap3A_141] : memref<1x20x20x211xf32, #tpu.memory_space<vmem>>, vector<1x1x20x64xf32>
    %swap3A_143 = vector.shape_cast %swap3A_142 : vector<1x1x20x64xf32> to vector<20x64xf32>
    %swap3A_144 = vector.shape_cast %get3A_137 : vector<20x64xf32> to vector<1x1x20x64xf32>
    tpu.vector_store %arg3[%swap3A_138, %swap3A_139, %swap3A_140, %swap3A_141], %swap3A_144 {strides = array<i32>} : memref<1x20x20x211xf32, #tpu.memory_space<vmem>>, vector<1x1x20x64xf32>,
    %slice3A_145 = vector.extract_strided_slice %get3A_3 {offsets = [25, 0], sizes = [20, 145], strides = [1, 1]} : vector<61x145xf32> to vector<20x145xf32>
    %swap3A_146 = arith.constant 0 : index
    %swap3A_147 = arith.constant 5 : index
    %swap3A_148 = arith.constant 0 : index
    %swap3A_149 = arith.constant 0 : index
    %swap3A_150 = vector.load %arg3[%swap3A_146, %swap3A_147, %swap3A_148, %swap3A_149] : memref<1x20x20x211xf32, #tpu.memory_space<vmem>>, vector<1x1x20x145xf32>
    %swap3A_151 = vector.shape_cast %swap3A_150 : vector<1x1x20x145xf32> to vector<20x145xf32>
    %swap3A_152 = vector.shape_cast %slice3A_145 : vector<20x145xf32> to vector<1x1x20x145xf32>
    tpu.vector_store %arg3[%swap3A_146, %swap3A_147, %swap3A_148, %swap3A_149], %swap3A_152 {strides = array<i32>} : memref<1x20x20x211xf32, #tpu.memory_space<vmem>>, vector<1x1x20x145xf32>,
    %sub3A_153 = arith.constant 5 : i32
    %sub3A_154 = arith.subi %mul3A_5, %sub3A_153 : i32
    %rem3A_155 = arith.constant 401 : i32
    %rem3A_156 = arith.remsi %sub3A_154, %rem3A_155 : i32
    %lt3A_157 = arith.constant 0 : i32
    %lt3A_158 = arith.cmpi slt, %rem3A_156, %lt3A_157 : i32
    %add3A_159 = arith.constant 400 : i32
    %add3A_160 = arith.addi %rem3A_156, %add3A_159 : i32
    %add3A_161 = arith.constant 1 : i32
    %add3A_162 = arith.addi %add3A_160, %add3A_161 : i32
    %select_n3A_163 = arith.select %lt3A_158, %add3A_162, %rem3A_156 : i32
    %get3A_164 = arith.index_cast %select_n3A_163 : i32 to index
    %get3A_165 = arith.constant 0 : index
    %get3A_166 = vector.load %arg2[%get3A_164, %get3A_165] : memref<802x64xf32, #tpu.memory_space<vmem>>, vector<20x64xf32>
    %swap3A_167 = arith.constant 0 : index
    %swap3A_168 = arith.constant 5 : index
    %swap3A_169 = arith.constant 0 : index
    %swap3A_170 = arith.constant 147 : index
    %swap3A_171 = vector.load %arg3[%swap3A_167, %swap3A_168, %swap3A_169, %swap3A_170] : memref<1x20x20x211xf32, #tpu.memory_space<vmem>>, vector<1x1x20x64xf32>
    %swap3A_172 = vector.shape_cast %swap3A_171 : vector<1x1x20x64xf32> to vector<20x64xf32>
    %swap3A_173 = vector.shape_cast %get3A_166 : vector<20x64xf32> to vector<1x1x20x64xf32>
    tpu.vector_store %arg3[%swap3A_167, %swap3A_168, %swap3A_169, %swap3A_170], %swap3A_173 {strides = array<i32>} : memref<1x20x20x211xf32, #tpu.memory_space<vmem>>, vector<1x1x20x64xf32>,
    %slice3A_174 = vector.extract_strided_slice %get3A_3 {offsets = [24, 0], sizes = [20, 145], strides = [1, 1]} : vector<61x145xf32> to vector<20x145xf32>
    %swap3A_175 = arith.constant 0 : index
    %swap3A_176 = arith.constant 6 : index
    %swap3A_177 = arith.constant 0 : index
    %swap3A_178 = arith.constant 0 : index
    %swap3A_179 = vector.load %arg3[%swap3A_175, %swap3A_176, %swap3A_177, %swap3A_178] : memref<1x20x20x211xf32, #tpu.memory_space<vmem>>, vector<1x1x20x145xf32>
    %swap3A_180 = vector.shape_cast %swap3A_179 : vector<1x1x20x145xf32> to vector<20x145xf32>
    %swap3A_181 = vector.shape_cast %slice3A_174 : vector<20x145xf32> to vector<1x1x20x145xf32>
    tpu.vector_store %arg3[%swap3A_175, %swap3A_176, %swap3A_177, %swap3A_178], %swap3A_181 {strides = array<i32>} : memref<1x20x20x211xf32, #tpu.memory_space<vmem>>, vector<1x1x20x145xf32>,
    %sub3A_182 = arith.constant 6 : i32
    %sub3A_183 = arith.subi %mul3A_5, %sub3A_182 : i32
    %rem3A_184 = arith.constant 401 : i32
    %rem3A_185 = arith.remsi %sub3A_183, %rem3A_184 : i32
    %lt3A_186 = arith.constant 0 : i32
    %lt3A_187 = arith.cmpi slt, %rem3A_185, %lt3A_186 : i32
    %add3A_188 = arith.constant 400 : i32
    %add3A_189 = arith.addi %rem3A_185, %add3A_188 : i32
    %add3A_190 = arith.constant 1 : i32
    %add3A_191 = arith.addi %add3A_189, %add3A_190 : i32
    %select_n3A_192 = arith.select %lt3A_187, %add3A_191, %rem3A_185 : i32
    %get3A_193 = arith.index_cast %select_n3A_192 : i32 to index
    %get3A_194 = arith.constant 0 : index
    %get3A_195 = vector.load %arg2[%get3A_193, %get3A_194] : memref<802x64xf32, #tpu.memory_space<vmem>>, vector<20x64xf32>
    %swap3A_196 = arith.constant 0 : index
    %swap3A_197 = arith.constant 6 : index
    %swap3A_198 = arith.constant 0 : index
    %swap3A_199 = arith.constant 147 : index
    %swap3A_200 = vector.load %arg3[%swap3A_196, %swap3A_197, %swap3A_198, %swap3A_199] : memref<1x20x20x211xf32, #tpu.memory_space<vmem>>, vector<1x1x20x64xf32>
    %swap3A_201 = vector.shape_cast %swap3A_200 : vector<1x1x20x64xf32> to vector<20x64xf32>
    %swap3A_202 = vector.shape_cast %get3A_195 : vector<20x64xf32> to vector<1x1x20x64xf32>
    tpu.vector_store %arg3[%swap3A_196, %swap3A_197, %swap3A_198, %swap3A_199], %swap3A_202 {strides = array<i32>} : memref<1x20x20x211xf32, #tpu.memory_space<vmem>>, vector<1x1x20x64xf32>,
    %slice3A_203 = vector.extract_strided_slice %get3A_3 {offsets = [23, 0], sizes = [20, 145], strides = [1, 1]} : vector<61x145xf32> to vector<20x145xf32>
    %swap3A_204 = arith.constant 0 : index
    %swap3A_205 = arith.constant 7 : index
    %swap3A_206 = arith.constant 0 : index
    %swap3A_207 = arith.constant 0 : index
    %swap3A_208 = vector.load %arg3[%swap3A_204, %swap3A_205, %swap3A_206, %swap3A_207] : memref<1x20x20x211xf32, #tpu.memory_space<vmem>>, vector<1x1x20x145xf32>
    %swap3A_209 = vector.shape_cast %swap3A_208 : vector<1x1x20x145xf32> to vector<20x145xf32>
    %swap3A_210 = vector.shape_cast %slice3A_203 : vector<20x145xf32> to vector<1x1x20x145xf32>
    tpu.vector_store %arg3[%swap3A_204, %swap3A_205, %swap3A_206, %swap3A_207], %swap3A_210 {strides = array<i32>} : memref<1x20x20x211xf32, #tpu.memory_space<vmem>>, vector<1x1x20x145xf32>,
    %sub3A_211 = arith.constant 7 : i32
    %sub3A_212 = arith.subi %mul3A_5, %sub3A_211 : i32
    %rem3A_213 = arith.constant 401 : i32
    %rem3A_214 = arith.remsi %sub3A_212, %rem3A_213 : i32
    %lt3A_215 = arith.constant 0 : i32
    %lt3A_216 = arith.cmpi slt, %rem3A_214, %lt3A_215 : i32
    %add3A_217 = arith.constant 400 : i32
    %add3A_218 = arith.addi %rem3A_214, %add3A_217 : i32
    %add3A_219 = arith.constant 1 : i32
    %add3A_220 = arith.addi %add3A_218, %add3A_219 : i32
    %select_n3A_221 = arith.select %lt3A_216, %add3A_220, %rem3A_214 : i32
    %get3A_222 = arith.index_cast %select_n3A_221 : i32 to index
    %get3A_223 = arith.constant 0 : index
    %get3A_224 = vector.load %arg2[%get3A_222, %get3A_223] : memref<802x64xf32, #tpu.memory_space<vmem>>, vector<20x64xf32>
    %swap3A_225 = arith.constant 0 : index
    %swap3A_226 = arith.constant 7 : index
    %swap3A_227 = arith.constant 0 : index
    %swap3A_228 = arith.constant 147 : index
    %swap3A_229 = vector.load %arg3[%swap3A_225, %swap3A_226, %swap3A_227, %swap3A_228] : memref<1x20x20x211xf32, #tpu.memory_space<vmem>>, vector<1x1x20x64xf32>
    %swap3A_230 = vector.shape_cast %swap3A_229 : vector<1x1x20x64xf32> to vector<20x64xf32>
    %swap3A_231 = vector.shape_cast %get3A_224 : vector<20x64xf32> to vector<1x1x20x64xf32>
    tpu.vector_store %arg3[%swap3A_225, %swap3A_226, %swap3A_227, %swap3A_228], %swap3A_231 {strides = array<i32>} : memref<1x20x20x211xf32, #tpu.memory_space<vmem>>, vector<1x1x20x64xf32>,
    %slice3A_232 = vector.extract_strided_slice %get3A_3 {offsets = [22, 0], sizes = [20, 145], strides = [1, 1]} : vector<61x145xf32> to vector<20x145xf32>
    %swap3A_233 = arith.constant 0 : index
    %swap3A_234 = arith.constant 8 : index
    %swap3A_235 = arith.constant 0 : index
    %swap3A_236 = arith.constant 0 : index
    %swap3A_237 = vector.load %arg3[%swap3A_233, %swap3A_234, %swap3A_235, %swap3A_236] : memref<1x20x20x211xf32, #tpu.memory_space<vmem>>, vector<1x1x20x145xf32>
    %swap3A_238 = vector.shape_cast %swap3A_237 : vector<1x1x20x145xf32> to vector<20x145xf32>
    %swap3A_239 = vector.shape_cast %slice3A_232 : vector<20x145xf32> to vector<1x1x20x145xf32>
    tpu.vector_store %arg3[%swap3A_233, %swap3A_234, %swap3A_235, %swap3A_236], %swap3A_239 {strides = array<i32>} : memref<1x20x20x211xf32, #tpu.memory_space<vmem>>, vector<1x1x20x145xf32>,
    %sub3A_240 = arith.constant 8 : i32
    %sub3A_241 = arith.subi %mul3A_5, %sub3A_240 : i32
    %rem3A_242 = arith.constant 401 : i32
    %rem3A_243 = arith.remsi %sub3A_241, %rem3A_242 : i32
    %lt3A_244 = arith.constant 0 : i32
    %lt3A_245 = arith.cmpi slt, %rem3A_243, %lt3A_244 : i32
    %add3A_246 = arith.constant 400 : i32
    %add3A_247 = arith.addi %rem3A_243, %add3A_246 : i32
    %add3A_248 = arith.constant 1 : i32
    %add3A_249 = arith.addi %add3A_247, %add3A_248 : i32
    %select_n3A_250 = arith.select %lt3A_245, %add3A_249, %rem3A_243 : i32
    %get3A_251 = arith.index_cast %select_n3A_250 : i32 to index
    %get3A_252 = arith.constant 0 : index
    %get3A_253 = vector.load %arg2[%get3A_251, %get3A_252] : memref<802x64xf32, #tpu.memory_space<vmem>>, vector<20x64xf32>
    %swap3A_254 = arith.constant 0 : index
    %swap3A_255 = arith.constant 8 : index
    %swap3A_256 = arith.constant 0 : index
    %swap3A_257 = arith.constant 147 : index
    %swap3A_258 = vector.load %arg3[%swap3A_254, %swap3A_255, %swap3A_256, %swap3A_257] : memref<1x20x20x211xf32, #tpu.memory_space<vmem>>, vector<1x1x20x64xf32>
    %swap3A_259 = vector.shape_cast %swap3A_258 : vector<1x1x20x64xf32> to vector<20x64xf32>
    %swap3A_260 = vector.shape_cast %get3A_253 : vector<20x64xf32> to vector<1x1x20x64xf32>
    tpu.vector_store %arg3[%swap3A_254, %swap3A_255, %swap3A_256, %swap3A_257], %swap3A_260 {strides = array<i32>} : memref<1x20x20x211xf32, #tpu.memory_space<vmem>>, vector<1x1x20x64xf32>,
    %slice3A_261 = vector.extract_strided_slice %get3A_3 {offsets = [21, 0], sizes = [20, 145], strides = [1, 1]} : vector<61x145xf32> to vector<20x145xf32>
    %swap3A_262 = arith.constant 0 : index
    %swap3A_263 = arith.constant 9 : index
    %swap3A_264 = arith.constant 0 : index
    %swap3A_265 = arith.constant 0 : index
    %swap3A_266 = vector.load %arg3[%swap3A_262, %swap3A_263, %swap3A_264, %swap3A_265] : memref<1x20x20x211xf32, #tpu.memory_space<vmem>>, vector<1x1x20x145xf32>
    %swap3A_267 = vector.shape_cast %swap3A_266 : vector<1x1x20x145xf32> to vector<20x145xf32>
    %swap3A_268 = vector.shape_cast %slice3A_261 : vector<20x145xf32> to vector<1x1x20x145xf32>
    tpu.vector_store %arg3[%swap3A_262, %swap3A_263, %swap3A_264, %swap3A_265], %swap3A_268 {strides = array<i32>} : memref<1x20x20x211xf32, #tpu.memory_space<vmem>>, vector<1x1x20x145xf32>,
    %sub3A_269 = arith.constant 9 : i32
    %sub3A_270 = arith.subi %mul3A_5, %sub3A_269 : i32
    %rem3A_271 = arith.constant 401 : i32
    %rem3A_272 = arith.remsi %sub3A_270, %rem3A_271 : i32
    %lt3A_273 = arith.constant 0 : i32
    %lt3A_274 = arith.cmpi slt, %rem3A_272, %lt3A_273 : i32
    %add3A_275 = arith.constant 400 : i32
    %add3A_276 = arith.addi %rem3A_272, %add3A_275 : i32
    %add3A_277 = arith.constant 1 : i32
    %add3A_278 = arith.addi %add3A_276, %add3A_277 : i32
    %select_n3A_279 = arith.select %lt3A_274, %add3A_278, %rem3A_272 : i32
    %get3A_280 = arith.index_cast %select_n3A_279 : i32 to index
    %get3A_281 = arith.constant 0 : index
    %get3A_282 = vector.load %arg2[%get3A_280, %get3A_281] : memref<802x64xf32, #tpu.memory_space<vmem>>, vector<20x64xf32>
    %swap3A_283 = arith.constant 0 : index
    %swap3A_284 = arith.constant 9 : index
    %swap3A_285 = arith.constant 0 : index
    %swap3A_286 = arith.constant 147 : index
    %swap3A_287 = vector.load %arg3[%swap3A_283, %swap3A_284, %swap3A_285, %swap3A_286] : memref<1x20x20x211xf32, #tpu.memory_space<vmem>>, vector<1x1x20x64xf32>
    %swap3A_288 = vector.shape_cast %swap3A_287 : vector<1x1x20x64xf32> to vector<20x64xf32>
    %swap3A_289 = vector.shape_cast %get3A_282 : vector<20x64xf32> to vector<1x1x20x64xf32>
    tpu.vector_store %arg3[%swap3A_283, %swap3A_284, %swap3A_285, %swap3A_286], %swap3A_289 {strides = array<i32>} : memref<1x20x20x211xf32, #tpu.memory_space<vmem>>, vector<1x1x20x64xf32>,
    %slice3A_290 = vector.extract_strided_slice %get3A_3 {offsets = [20, 0], sizes = [20, 145], strides = [1, 1]} : vector<61x145xf32> to vector<20x145xf32>
    %swap3A_291 = arith.constant 0 : index
    %swap3A_292 = arith.constant 10 : index
    %swap3A_293 = arith.constant 0 : index
    %swap3A_294 = arith.constant 0 : index
    %swap3A_295 = vector.load %arg3[%swap3A_291, %swap3A_292, %swap3A_293, %swap3A_294] : memref<1x20x20x211xf32, #tpu.memory_space<vmem>>, vector<1x1x20x145xf32>
    %swap3A_296 = vector.shape_cast %swap3A_295 : vector<1x1x20x145xf32> to vector<20x145xf32>
    %swap3A_297 = vector.shape_cast %slice3A_290 : vector<20x145xf32> to vector<1x1x20x145xf32>
    tpu.vector_store %arg3[%swap3A_291, %swap3A_292, %swap3A_293, %swap3A_294], %swap3A_297 {strides = array<i32>} : memref<1x20x20x211xf32, #tpu.memory_space<vmem>>, vector<1x1x20x145xf32>,
    %sub3A_298 = arith.constant 10 : i32
    %sub3A_299 = arith.subi %mul3A_5, %sub3A_298 : i32
    %rem3A_300 = arith.constant 401 : i32
    %rem3A_301 = arith.remsi %sub3A_299, %rem3A_300 : i32
    %lt3A_302 = arith.constant 0 : i32
    %lt3A_303 = arith.cmpi slt, %rem3A_301, %lt3A_302 : i32
    %add3A_304 = arith.constant 400 : i32
    %add3A_305 = arith.addi %rem3A_301, %add3A_304 : i32
    %add3A_306 = arith.constant 1 : i32
    %add3A_307 = arith.addi %add3A_305, %add3A_306 : i32
    %select_n3A_308 = arith.select %lt3A_303, %add3A_307, %rem3A_301 : i32
    %get3A_309 = arith.index_cast %select_n3A_308 : i32 to index
    %get3A_310 = arith.constant 0 : index
    %get3A_311 = vector.load %arg2[%get3A_309, %get3A_310] : memref<802x64xf32, #tpu.memory_space<vmem>>, vector<20x64xf32>
    %swap3A_312 = arith.constant 0 : index
    %swap3A_313 = arith.constant 10 : index
    %swap3A_314 = arith.constant 0 : index
    %swap3A_315 = arith.constant 147 : index
    %swap3A_316 = vector.load %arg3[%swap3A_312, %swap3A_313, %swap3A_314, %swap3A_315] : memref<1x20x20x211xf32, #tpu.memory_space<vmem>>, vector<1x1x20x64xf32>
    %swap3A_317 = vector.shape_cast %swap3A_316 : vector<1x1x20x64xf32> to vector<20x64xf32>
    %swap3A_318 = vector.shape_cast %get3A_311 : vector<20x64xf32> to vector<1x1x20x64xf32>
    tpu.vector_store %arg3[%swap3A_312, %swap3A_313, %swap3A_314, %swap3A_315], %swap3A_318 {strides = array<i32>} : memref<1x20x20x211xf32, #tpu.memory_space<vmem>>, vector<1x1x20x64xf32>,
    %slice3A_319 = vector.extract_strided_slice %get3A_3 {offsets = [19, 0], sizes = [20, 145], strides = [1, 1]} : vector<61x145xf32> to vector<20x145xf32>
    %swap3A_320 = arith.constant 0 : index
    %swap3A_321 = arith.constant 11 : index
    %swap3A_322 = arith.constant 0 : index
    %swap3A_323 = arith.constant 0 : index
    %swap3A_324 = vector.load %arg3[%swap3A_320, %swap3A_321, %swap3A_322, %swap3A_323] : memref<1x20x20x211xf32, #tpu.memory_space<vmem>>, vector<1x1x20x145xf32>
    %swap3A_325 = vector.shape_cast %swap3A_324 : vector<1x1x20x145xf32> to vector<20x145xf32>
    %swap3A_326 = vector.shape_cast %slice3A_319 : vector<20x145xf32> to vector<1x1x20x145xf32>
    tpu.vector_store %arg3[%swap3A_320, %swap3A_321, %swap3A_322, %swap3A_323], %swap3A_326 {strides = array<i32>} : memref<1x20x20x211xf32, #tpu.memory_space<vmem>>, vector<1x1x20x145xf32>,
    %sub3A_327 = arith.constant 11 : i32
    %sub3A_328 = arith.subi %mul3A_5, %sub3A_327 : i32
    %rem3A_329 = arith.constant 401 : i32
    %rem3A_330 = arith.remsi %sub3A_328, %rem3A_329 : i32
    %lt3A_331 = arith.constant 0 : i32
    %lt3A_332 = arith.cmpi slt, %rem3A_330, %lt3A_331 : i32
    %add3A_333 = arith.constant 400 : i32
    %add3A_334 = arith.addi %rem3A_330, %add3A_333 : i32
    %add3A_335 = arith.constant 1 : i32
    %add3A_336 = arith.addi %add3A_334, %add3A_335 : i32
    %select_n3A_337 = arith.select %lt3A_332, %add3A_336, %rem3A_330 : i32
    %get3A_338 = arith.index_cast %select_n3A_337 : i32 to index
    %get3A_339 = arith.constant 0 : index
    %get3A_340 = vector.load %arg2[%get3A_338, %get3A_339] : memref<802x64xf32, #tpu.memory_space<vmem>>, vector<20x64xf32>
    %swap3A_341 = arith.constant 0 : index
    %swap3A_342 = arith.constant 11 : index
    %swap3A_343 = arith.constant 0 : index
    %swap3A_344 = arith.constant 147 : index
    %swap3A_345 = vector.load %arg3[%swap3A_341, %swap3A_342, %swap3A_343, %swap3A_344] : memref<1x20x20x211xf32, #tpu.memory_space<vmem>>, vector<1x1x20x64xf32>
    %swap3A_346 = vector.shape_cast %swap3A_345 : vector<1x1x20x64xf32> to vector<20x64xf32>
    %swap3A_347 = vector.shape_cast %get3A_340 : vector<20x64xf32> to vector<1x1x20x64xf32>
    tpu.vector_store %arg3[%swap3A_341, %swap3A_342, %swap3A_343, %swap3A_344], %swap3A_347 {strides = array<i32>} : memref<1x20x20x211xf32, #tpu.memory_space<vmem>>, vector<1x1x20x64xf32>,
    %slice3A_348 = vector.extract_strided_slice %get3A_3 {offsets = [18, 0], sizes = [20, 145], strides = [1, 1]} : vector<61x145xf32> to vector<20x145xf32>
    %swap3A_349 = arith.constant 0 : index
    %swap3A_350 = arith.constant 12 : index
    %swap3A_351 = arith.constant 0 : index
    %swap3A_352 = arith.constant 0 : index
    %swap3A_353 = vector.load %arg3[%swap3A_349, %swap3A_350, %swap3A_351, %swap3A_352] : memref<1x20x20x211xf32, #tpu.memory_space<vmem>>, vector<1x1x20x145xf32>
    %swap3A_354 = vector.shape_cast %swap3A_353 : vector<1x1x20x145xf32> to vector<20x145xf32>
    %swap3A_355 = vector.shape_cast %slice3A_348 : vector<20x145xf32> to vector<1x1x20x145xf32>
    tpu.vector_store %arg3[%swap3A_349, %swap3A_350, %swap3A_351, %swap3A_352], %swap3A_355 {strides = array<i32>} : memref<1x20x20x211xf32, #tpu.memory_space<vmem>>, vector<1x1x20x145xf32>,
    %sub3A_356 = arith.constant 12 : i32
    %sub3A_357 = arith.subi %mul3A_5, %sub3A_356 : i32
    %rem3A_358 = arith.constant 401 : i32
    %rem3A_359 = arith.remsi %sub3A_357, %rem3A_358 : i32
    %lt3A_360 = arith.constant 0 : i32
    %lt3A_361 = arith.cmpi slt, %rem3A_359, %lt3A_360 : i32
    %add3A_362 = arith.constant 400 : i32
    %add3A_363 = arith.addi %rem3A_359, %add3A_362 : i32
    %add3A_364 = arith.constant 1 : i32
    %add3A_365 = arith.addi %add3A_363, %add3A_364 : i32
    %select_n3A_366 = arith.select %lt3A_361, %add3A_365, %rem3A_359 : i32
    %get3A_367 = arith.index_cast %select_n3A_366 : i32 to index
    %get3A_368 = arith.constant 0 : index
    %get3A_369 = vector.load %arg2[%get3A_367, %get3A_368] : memref<802x64xf32, #tpu.memory_space<vmem>>, vector<20x64xf32>
    %swap3A_370 = arith.constant 0 : index
    %swap3A_371 = arith.constant 12 : index
    %swap3A_372 = arith.constant 0 : index
    %swap3A_373 = arith.constant 147 : index
    %swap3A_374 = vector.load %arg3[%swap3A_370, %swap3A_371, %swap3A_372, %swap3A_373] : memref<1x20x20x211xf32, #tpu.memory_space<vmem>>, vector<1x1x20x64xf32>
    %swap3A_375 = vector.shape_cast %swap3A_374 : vector<1x1x20x64xf32> to vector<20x64xf32>
    %swap3A_376 = vector.shape_cast %get3A_369 : vector<20x64xf32> to vector<1x1x20x64xf32>
    tpu.vector_store %arg3[%swap3A_370, %swap3A_371, %swap3A_372, %swap3A_373], %swap3A_376 {strides = array<i32>} : memref<1x20x20x211xf32, #tpu.memory_space<vmem>>, vector<1x1x20x64xf32>,
    %slice3A_377 = vector.extract_strided_slice %get3A_3 {offsets = [17, 0], sizes = [20, 145], strides = [1, 1]} : vector<61x145xf32> to vector<20x145xf32>
    %swap3A_378 = arith.constant 0 : index
    %swap3A_379 = arith.constant 13 : index
    %swap3A_380 = arith.constant 0 : index
    %swap3A_381 = arith.constant 0 : index
    %swap3A_382 = vector.load %arg3[%swap3A_378, %swap3A_379, %swap3A_380, %swap3A_381] : memref<1x20x20x211xf32, #tpu.memory_space<vmem>>, vector<1x1x20x145xf32>
    %swap3A_383 = vector.shape_cast %swap3A_382 : vector<1x1x20x145xf32> to vector<20x145xf32>
    %swap3A_384 = vector.shape_cast %slice3A_377 : vector<20x145xf32> to vector<1x1x20x145xf32>
    tpu.vector_store %arg3[%swap3A_378, %swap3A_379, %swap3A_380, %swap3A_381], %swap3A_384 {strides = array<i32>} : memref<1x20x20x211xf32, #tpu.memory_space<vmem>>, vector<1x1x20x145xf32>,
    %sub3A_385 = arith.constant 13 : i32
    %sub3A_386 = arith.subi %mul3A_5, %sub3A_385 : i32
    %rem3A_387 = arith.constant 401 : i32
    %rem3A_388 = arith.remsi %sub3A_386, %rem3A_387 : i32
    %lt3A_389 = arith.constant 0 : i32
    %lt3A_390 = arith.cmpi slt, %rem3A_388, %lt3A_389 : i32
    %add3A_391 = arith.constant 400 : i32
    %add3A_392 = arith.addi %rem3A_388, %add3A_391 : i32
    %add3A_393 = arith.constant 1 : i32
    %add3A_394 = arith.addi %add3A_392, %add3A_393 : i32
    %select_n3A_395 = arith.select %lt3A_390, %add3A_394, %rem3A_388 : i32
    %get3A_396 = arith.index_cast %select_n3A_395 : i32 to index
    %get3A_397 = arith.constant 0 : index
    %get3A_398 = vector.load %arg2[%get3A_396, %get3A_397] : memref<802x64xf32, #tpu.memory_space<vmem>>, vector<20x64xf32>
    %swap3A_399 = arith.constant 0 : index
    %swap3A_400 = arith.constant 13 : index
    %swap3A_401 = arith.constant 0 : index
    %swap3A_402 = arith.constant 147 : index
    %swap3A_403 = vector.load %arg3[%swap3A_399, %swap3A_400, %swap3A_401, %swap3A_402] : memref<1x20x20x211xf32, #tpu.memory_space<vmem>>, vector<1x1x20x64xf32>
    %swap3A_404 = vector.shape_cast %swap3A_403 : vector<1x1x20x64xf32> to vector<20x64xf32>
    %swap3A_405 = vector.shape_cast %get3A_398 : vector<20x64xf32> to vector<1x1x20x64xf32>
    tpu.vector_store %arg3[%swap3A_399, %swap3A_400, %swap3A_401, %swap3A_402], %swap3A_405 {strides = array<i32>} : memref<1x20x20x211xf32, #tpu.memory_space<vmem>>, vector<1x1x20x64xf32>,
    %slice3A_406 = vector.extract_strided_slice %get3A_3 {offsets = [16, 0], sizes = [20, 145], strides = [1, 1]} : vector<61x145xf32> to vector<20x145xf32>
    %swap3A_407 = arith.constant 0 : index
    %swap3A_408 = arith.constant 14 : index
    %swap3A_409 = arith.constant 0 : index
    %swap3A_410 = arith.constant 0 : index
    %swap3A_411 = vector.load %arg3[%swap3A_407, %swap3A_408, %swap3A_409, %swap3A_410] : memref<1x20x20x211xf32, #tpu.memory_space<vmem>>, vector<1x1x20x145xf32>
    %swap3A_412 = vector.shape_cast %swap3A_411 : vector<1x1x20x145xf32> to vector<20x145xf32>
    %swap3A_413 = vector.shape_cast %slice3A_406 : vector<20x145xf32> to vector<1x1x20x145xf32>
    tpu.vector_store %arg3[%swap3A_407, %swap3A_408, %swap3A_409, %swap3A_410], %swap3A_413 {strides = array<i32>} : memref<1x20x20x211xf32, #tpu.memory_space<vmem>>, vector<1x1x20x145xf32>,
    %sub3A_414 = arith.constant 14 : i32
    %sub3A_415 = arith.subi %mul3A_5, %sub3A_414 : i32
    %rem3A_416 = arith.constant 401 : i32
    %rem3A_417 = arith.remsi %sub3A_415, %rem3A_416 : i32
    %lt3A_418 = arith.constant 0 : i32
    %lt3A_419 = arith.cmpi slt, %rem3A_417, %lt3A_418 : i32
    %add3A_420 = arith.constant 400 : i32
    %add3A_421 = arith.addi %rem3A_417, %add3A_420 : i32
    %add3A_422 = arith.constant 1 : i32
    %add3A_423 = arith.addi %add3A_421, %add3A_422 : i32
    %select_n3A_424 = arith.select %lt3A_419, %add3A_423, %rem3A_417 : i32
    %get3A_425 = arith.index_cast %select_n3A_424 : i32 to index
    %get3A_426 = arith.constant 0 : index
    %get3A_427 = vector.load %arg2[%get3A_425, %get3A_426] : memref<802x64xf32, #tpu.memory_space<vmem>>, vector<20x64xf32>
    %swap3A_428 = arith.constant 0 : index
    %swap3A_429 = arith.constant 14 : index
    %swap3A_430 = arith.constant 0 : index
    %swap3A_431 = arith.constant 147 : index
    %swap3A_432 = vector.load %arg3[%swap3A_428, %swap3A_429, %swap3A_430, %swap3A_431] : memref<1x20x20x211xf32, #tpu.memory_space<vmem>>, vector<1x1x20x64xf32>
    %swap3A_433 = vector.shape_cast %swap3A_432 : vector<1x1x20x64xf32> to vector<20x64xf32>
    %swap3A_434 = vector.shape_cast %get3A_427 : vector<20x64xf32> to vector<1x1x20x64xf32>
    tpu.vector_store %arg3[%swap3A_428, %swap3A_429, %swap3A_430, %swap3A_431], %swap3A_434 {strides = array<i32>} : memref<1x20x20x211xf32, #tpu.memory_space<vmem>>, vector<1x1x20x64xf32>,
    %slice3A_435 = vector.extract_strided_slice %get3A_3 {offsets = [15, 0], sizes = [20, 145], strides = [1, 1]} : vector<61x145xf32> to vector<20x145xf32>
    %swap3A_436 = arith.constant 0 : index
    %swap3A_437 = arith.constant 15 : index
    %swap3A_438 = arith.constant 0 : index
    %swap3A_439 = arith.constant 0 : index
    %swap3A_440 = vector.load %arg3[%swap3A_436, %swap3A_437, %swap3A_438, %swap3A_439] : memref<1x20x20x211xf32, #tpu.memory_space<vmem>>, vector<1x1x20x145xf32>
    %swap3A_441 = vector.shape_cast %swap3A_440 : vector<1x1x20x145xf32> to vector<20x145xf32>
    %swap3A_442 = vector.shape_cast %slice3A_435 : vector<20x145xf32> to vector<1x1x20x145xf32>
    tpu.vector_store %arg3[%swap3A_436, %swap3A_437, %swap3A_438, %swap3A_439], %swap3A_442 {strides = array<i32>} : memref<1x20x20x211xf32, #tpu.memory_space<vmem>>, vector<1x1x20x145xf32>,
    %sub3A_443 = arith.constant 15 : i32
    %sub3A_444 = arith.subi %mul3A_5, %sub3A_443 : i32
    %rem3A_445 = arith.constant 401 : i32
    %rem3A_446 = arith.remsi %sub3A_444, %rem3A_445 : i32
    %lt3A_447 = arith.constant 0 : i32
    %lt3A_448 = arith.cmpi slt, %rem3A_446, %lt3A_447 : i32
    %add3A_449 = arith.constant 400 : i32
    %add3A_450 = arith.addi %rem3A_446, %add3A_449 : i32
    %add3A_451 = arith.constant 1 : i32
    %add3A_452 = arith.addi %add3A_450, %add3A_451 : i32
    %select_n3A_453 = arith.select %lt3A_448, %add3A_452, %rem3A_446 : i32
    %get3A_454 = arith.index_cast %select_n3A_453 : i32 to index
    %get3A_455 = arith.constant 0 : index
    %get3A_456 = vector.load %arg2[%get3A_454, %get3A_455] : memref<802x64xf32, #tpu.memory_space<vmem>>, vector<20x64xf32>
    %swap3A_457 = arith.constant 0 : index
    %swap3A_458 = arith.constant 15 : index
    %swap3A_459 = arith.constant 0 : index
    %swap3A_460 = arith.constant 147 : index
    %swap3A_461 = vector.load %arg3[%swap3A_457, %swap3A_458, %swap3A_459, %swap3A_460] : memref<1x20x20x211xf32, #tpu.memory_space<vmem>>, vector<1x1x20x64xf32>
    %swap3A_462 = vector.shape_cast %swap3A_461 : vector<1x1x20x64xf32> to vector<20x64xf32>
    %swap3A_463 = vector.shape_cast %get3A_456 : vector<20x64xf32> to vector<1x1x20x64xf32>
    tpu.vector_store %arg3[%swap3A_457, %swap3A_458, %swap3A_459, %swap3A_460], %swap3A_463 {strides = array<i32>} : memref<1x20x20x211xf32, #tpu.memory_space<vmem>>, vector<1x1x20x64xf32>,
    %slice3A_464 = vector.extract_strided_slice %get3A_3 {offsets = [14, 0], sizes = [20, 145], strides = [1, 1]} : vector<61x145xf32> to vector<20x145xf32>
    %swap3A_465 = arith.constant 0 : index
    %swap3A_466 = arith.constant 16 : index
    %swap3A_467 = arith.constant 0 : index
    %swap3A_468 = arith.constant 0 : index
    %swap3A_469 = vector.load %arg3[%swap3A_465, %swap3A_466, %swap3A_467, %swap3A_468] : memref<1x20x20x211xf32, #tpu.memory_space<vmem>>, vector<1x1x20x145xf32>
    %swap3A_470 = vector.shape_cast %swap3A_469 : vector<1x1x20x145xf32> to vector<20x145xf32>
    %swap3A_471 = vector.shape_cast %slice3A_464 : vector<20x145xf32> to vector<1x1x20x145xf32>
    tpu.vector_store %arg3[%swap3A_465, %swap3A_466, %swap3A_467, %swap3A_468], %swap3A_471 {strides = array<i32>} : memref<1x20x20x211xf32, #tpu.memory_space<vmem>>, vector<1x1x20x145xf32>,
    %sub3A_472 = arith.constant 16 : i32
    %sub3A_473 = arith.subi %mul3A_5, %sub3A_472 : i32
    %rem3A_474 = arith.constant 401 : i32
    %rem3A_475 = arith.remsi %sub3A_473, %rem3A_474 : i32
    %lt3A_476 = arith.constant 0 : i32
    %lt3A_477 = arith.cmpi slt, %rem3A_475, %lt3A_476 : i32
    %add3A_478 = arith.constant 400 : i32
    %add3A_479 = arith.addi %rem3A_475, %add3A_478 : i32
    %add3A_480 = arith.constant 1 : i32
    %add3A_481 = arith.addi %add3A_479, %add3A_480 : i32
    %select_n3A_482 = arith.select %lt3A_477, %add3A_481, %rem3A_475 : i32
    %get3A_483 = arith.index_cast %select_n3A_482 : i32 to index
    %get3A_484 = arith.constant 0 : index
    %get3A_485 = vector.load %arg2[%get3A_483, %get3A_484] : memref<802x64xf32, #tpu.memory_space<vmem>>, vector<20x64xf32>
    %swap3A_486 = arith.constant 0 : index
    %swap3A_487 = arith.constant 16 : index
    %swap3A_488 = arith.constant 0 : index
    %swap3A_489 = arith.constant 147 : index
    %swap3A_490 = vector.load %arg3[%swap3A_486, %swap3A_487, %swap3A_488, %swap3A_489] : memref<1x20x20x211xf32, #tpu.memory_space<vmem>>, vector<1x1x20x64xf32>
    %swap3A_491 = vector.shape_cast %swap3A_490 : vector<1x1x20x64xf32> to vector<20x64xf32>
    %swap3A_492 = vector.shape_cast %get3A_485 : vector<20x64xf32> to vector<1x1x20x64xf32>
    tpu.vector_store %arg3[%swap3A_486, %swap3A_487, %swap3A_488, %swap3A_489], %swap3A_492 {strides = array<i32>} : memref<1x20x20x211xf32, #tpu.memory_space<vmem>>, vector<1x1x20x64xf32>,
    %slice3A_493 = vector.extract_strided_slice %get3A_3 {offsets = [13, 0], sizes = [20, 145], strides = [1, 1]} : vector<61x145xf32> to vector<20x145xf32>
    %swap3A_494 = arith.constant 0 : index
    %swap3A_495 = arith.constant 17 : index
    %swap3A_496 = arith.constant 0 : index
    %swap3A_497 = arith.constant 0 : index
    %swap3A_498 = vector.load %arg3[%swap3A_494, %swap3A_495, %swap3A_496, %swap3A_497] : memref<1x20x20x211xf32, #tpu.memory_space<vmem>>, vector<1x1x20x145xf32>
    %swap3A_499 = vector.shape_cast %swap3A_498 : vector<1x1x20x145xf32> to vector<20x145xf32>
    %swap3A_500 = vector.shape_cast %slice3A_493 : vector<20x145xf32> to vector<1x1x20x145xf32>
    tpu.vector_store %arg3[%swap3A_494, %swap3A_495, %swap3A_496, %swap3A_497], %swap3A_500 {strides = array<i32>} : memref<1x20x20x211xf32, #tpu.memory_space<vmem>>, vector<1x1x20x145xf32>,
    %sub3A_501 = arith.constant 17 : i32
    %sub3A_502 = arith.subi %mul3A_5, %sub3A_501 : i32
    %rem3A_503 = arith.constant 401 : i32
    %rem3A_504 = arith.remsi %sub3A_502, %rem3A_503 : i32
    %lt3A_505 = arith.constant 0 : i32
    %lt3A_506 = arith.cmpi slt, %rem3A_504, %lt3A_505 : i32
    %add3A_507 = arith.constant 400 : i32
    %add3A_508 = arith.addi %rem3A_504, %add3A_507 : i32
    %add3A_509 = arith.constant 1 : i32
    %add3A_510 = arith.addi %add3A_508, %add3A_509 : i32
    %select_n3A_511 = arith.select %lt3A_506, %add3A_510, %rem3A_504 : i32
    %get3A_512 = arith.index_cast %select_n3A_511 : i32 to index
    %get3A_513 = arith.constant 0 : index
    %get3A_514 = vector.load %arg2[%get3A_512, %get3A_513] : memref<802x64xf32, #tpu.memory_space<vmem>>, vector<20x64xf32>
    %swap3A_515 = arith.constant 0 : index
    %swap3A_516 = arith.constant 17 : index
    %swap3A_517 = arith.constant 0 : index
    %swap3A_518 = arith.constant 147 : index
    %swap3A_519 = vector.load %arg3[%swap3A_515, %swap3A_516, %swap3A_517, %swap3A_518] : memref<1x20x20x211xf32, #tpu.memory_space<vmem>>, vector<1x1x20x64xf32>
    %swap3A_520 = vector.shape_cast %swap3A_519 : vector<1x1x20x64xf32> to vector<20x64xf32>
    %swap3A_521 = vector.shape_cast %get3A_514 : vector<20x64xf32> to vector<1x1x20x64xf32>
    tpu.vector_store %arg3[%swap3A_515, %swap3A_516, %swap3A_517, %swap3A_518], %swap3A_521 {strides = array<i32>} : memref<1x20x20x211xf32, #tpu.memory_space<vmem>>, vector<1x1x20x64xf32>,
    %slice3A_522 = vector.extract_strided_slice %get3A_3 {offsets = [12, 0], sizes = [20, 145], strides = [1, 1]} : vector<61x145xf32> to vector<20x145xf32>
    %swap3A_523 = arith.constant 0 : index
    %swap3A_524 = arith.constant 18 : index
    %swap3A_525 = arith.constant 0 : index
    %swap3A_526 = arith.constant 0 : index
    %swap3A_527 = vector.load %arg3[%swap3A_523, %swap3A_524, %swap3A_525, %swap3A_526] : memref<1x20x20x211xf32, #tpu.memory_space<vmem>>, vector<1x1x20x145xf32>
    %swap3A_528 = vector.shape_cast %swap3A_527 : vector<1x1x20x145xf32> to vector<20x145xf32>
    %swap3A_529 = vector.shape_cast %slice3A_522 : vector<20x145xf32> to vector<1x1x20x145xf32>
    tpu.vector_store %arg3[%swap3A_523, %swap3A_524, %swap3A_525, %swap3A_526], %swap3A_529 {strides = array<i32>} : memref<1x20x20x211xf32, #tpu.memory_space<vmem>>, vector<1x1x20x145xf32>,
    %sub3A_530 = arith.constant 18 : i32
    %sub3A_531 = arith.subi %mul3A_5, %sub3A_530 : i32
    %rem3A_532 = arith.constant 401 : i32
    %rem3A_533 = arith.remsi %sub3A_531, %rem3A_532 : i32
    %lt3A_534 = arith.constant 0 : i32
    %lt3A_535 = arith.cmpi slt, %rem3A_533, %lt3A_534 : i32
    %add3A_536 = arith.constant 400 : i32
    %add3A_537 = arith.addi %rem3A_533, %add3A_536 : i32
    %add3A_538 = arith.constant 1 : i32
    %add3A_539 = arith.addi %add3A_537, %add3A_538 : i32
    %select_n3A_540 = arith.select %lt3A_535, %add3A_539, %rem3A_533 : i32
    %get3A_541 = arith.index_cast %select_n3A_540 : i32 to index
    %get3A_542 = arith.constant 0 : index
    %get3A_543 = vector.load %arg2[%get3A_541, %get3A_542] : memref<802x64xf32, #tpu.memory_space<vmem>>, vector<20x64xf32>
    %swap3A_544 = arith.constant 0 : index
    %swap3A_545 = arith.constant 18 : index
    %swap3A_546 = arith.constant 0 : index
    %swap3A_547 = arith.constant 147 : index
    %swap3A_548 = vector.load %arg3[%swap3A_544, %swap3A_545, %swap3A_546, %swap3A_547] : memref<1x20x20x211xf32, #tpu.memory_space<vmem>>, vector<1x1x20x64xf32>
    %swap3A_549 = vector.shape_cast %swap3A_548 : vector<1x1x20x64xf32> to vector<20x64xf32>
    %swap3A_550 = vector.shape_cast %get3A_543 : vector<20x64xf32> to vector<1x1x20x64xf32>
    tpu.vector_store %arg3[%swap3A_544, %swap3A_545, %swap3A_546, %swap3A_547], %swap3A_550 {strides = array<i32>} : memref<1x20x20x211xf32, #tpu.memory_space<vmem>>, vector<1x1x20x64xf32>,
    %slice3A_551 = vector.extract_strided_slice %get3A_3 {offsets = [11, 0], sizes = [20, 145], strides = [1, 1]} : vector<61x145xf32> to vector<20x145xf32>
    %swap3A_552 = arith.constant 0 : index
    %swap3A_553 = arith.constant 19 : index
    %swap3A_554 = arith.constant 0 : index
    %swap3A_555 = arith.constant 0 : index
    %swap3A_556 = vector.load %arg3[%swap3A_552, %swap3A_553, %swap3A_554, %swap3A_555] : memref<1x20x20x211xf32, #tpu.memory_space<vmem>>, vector<1x1x20x145xf32>
    %swap3A_557 = vector.shape_cast %swap3A_556 : vector<1x1x20x145xf32> to vector<20x145xf32>
    %swap3A_558 = vector.shape_cast %slice3A_551 : vector<20x145xf32> to vector<1x1x20x145xf32>
    tpu.vector_store %arg3[%swap3A_552, %swap3A_553, %swap3A_554, %swap3A_555], %swap3A_558 {strides = array<i32>} : memref<1x20x20x211xf32, #tpu.memory_space<vmem>>, vector<1x1x20x145xf32>,
    %sub3A_559 = arith.constant 19 : i32
    %sub3A_560 = arith.subi %mul3A_5, %sub3A_559 : i32
    %rem3A_561 = arith.constant 401 : i32
    %rem3A_562 = arith.remsi %sub3A_560, %rem3A_561 : i32
    %lt3A_563 = arith.constant 0 : i32
    %lt3A_564 = arith.cmpi slt, %rem3A_562, %lt3A_563 : i32
    %add3A_565 = arith.constant 400 : i32
    %add3A_566 = arith.addi %rem3A_562, %add3A_565 : i32
    %add3A_567 = arith.constant 1 : i32
    %add3A_568 = arith.addi %add3A_566, %add3A_567 : i32
    %select_n3A_569 = arith.select %lt3A_564, %add3A_568, %rem3A_562 : i32
    %get3A_570 = arith.index_cast %select_n3A_569 : i32 to index
    %get3A_571 = arith.constant 0 : index
    %get3A_572 = vector.load %arg2[%get3A_570, %get3A_571] : memref<802x64xf32, #tpu.memory_space<vmem>>, vector<20x64xf32>
    %swap3A_573 = arith.constant 0 : index
    %swap3A_574 = arith.constant 19 : index
    %swap3A_575 = arith.constant 0 : index
    %swap3A_576 = arith.constant 147 : index
    %swap3A_577 = vector.load %arg3[%swap3A_573, %swap3A_574, %swap3A_575, %swap3A_576] : memref<1x20x20x211xf32, #tpu.memory_space<vmem>>, vector<1x1x20x64xf32>
    %swap3A_578 = vector.shape_cast %swap3A_577 : vector<1x1x20x64xf32> to vector<20x64xf32>
    %swap3A_579 = vector.shape_cast %get3A_572 : vector<20x64xf32> to vector<1x1x20x64xf32>
    tpu.vector_store %arg3[%swap3A_573, %swap3A_574, %swap3A_575, %swap3A_576], %swap3A_579 {strides = array<i32>} : memref<1x20x20x211xf32, #tpu.memory_space<vmem>>, vector<1x1x20x64xf32>,
    %broadcast_in_dim3A = arith.constant 0.000000e+00 : f32
    %broadcast_in_dim3A_580 = vector.broadcast %broadcast_in_dim3A : f32 to vector<20x20x2xf32>
    %swap3A_581 = arith.constant 0 : index
    %swap3A_582 = arith.constant 0 : index
    %swap3A_583 = arith.constant 0 : index
    %swap3A_584 = arith.constant 145 : index
    %swap3A_585 = vector.load %arg3[%swap3A_581, %swap3A_582, %swap3A_583, %swap3A_584] : memref<1x20x20x211xf32, #tpu.memory_space<vmem>>, vector<1x20x20x2xf32>
    %swap3A_586 = vector.shape_cast %swap3A_585 : vector<1x20x20x2xf32> to vector<20x20x2xf32>
    %swap3A_587 = vector.shape_cast %broadcast_in_dim3A_580 : vector<20x20x2xf32> to vector<1x20x20x2xf32>
    tpu.vector_store %arg3[%swap3A_581, %swap3A_582, %swap3A_583, %swap3A_584], %swap3A_587 {strides = array<i32>} : memref<1x20x20x211xf32, #tpu.memory_space<vmem>>, vector<1x20x20x2xf32>,
    return
  }
  func.func @transform_0(%arg0: i32) -> (i32, i32, i32) {
    %sub3A = arith.constant 49 : i32
    %sub3A_0 = arith.subi %sub3A, %arg0 : i32
    %c0_i32 = arith.constant 0 : i32
    %c0_i32_1 = arith.constant 0 : i32
    %c0_i32_2 = arith.constant 0 : i32
    return %sub3A_0, %c0_i32, %c0_i32_1 : i32, i32, i32
  }
  func.func @transform_1(%arg0: i32) -> (i32, i32) {
    %c0_i32 = arith.constant 0 : i32
    %c0_i32_0 = arith.constant 0 : i32
    %c0_i32_1 = arith.constant 0 : i32
    return %c0_i32, %c0_i32_0 : i32, i32
  }
  func.func @transform_2(%arg0: i32) -> (i32, i32, i32, i32) {
    %c0_i32 = arith.constant 0 : i32
    %c0_i32_0 = arith.constant 0 : i32
    %c0_i32_1 = arith.constant 0 : i32
    %c0_i32_2 = arith.constant 0 : i32
    return %arg0, %c0_i32, %c0_i32_0, %c0_i32_1 : i32, i32, i32, i32
  }
}

</mosaic_0001>

<sc_bundles>
// kernel: scatter_offload_async_start
scs
__scs_entry_jumppad:
0x0: {  	(pc) =	sbr.rel $0x88, $3  }
0x1: {  	(tag) =	ssettag $0x0;
	lr =	simm.s32 $0x1  }
0x2: {  	[smem:$0x3F9F] =	sst lr;
	_ =	strace $0xD0000000  }
0x3: {  	_ = 	snop  }
0x4: {  	_ = 	snop  }
0x5: {  	_ = 	snop  }
0x6: {  	_ = 	snop  }
0x7: {  	_ = 	snop  }
__scs_overlays_trampoline_lowered:
0x8: {  	[smem:$0x3FAE] =	sst s0  }
0x9: {  	[smem:$0x3FAF] =	sst s1  }
0xa: {  	[smem:$0x3FB0] =	sst s2  }
0xb: {  	[smem:$0x3FB1] =	sst s3  }
0xc: {  	[smem:$0x3FB2] =	sst s4  }
0xd: {  	[smem:$0x3FB3] =	sst s5  }
0xe: {  	[smem:$0x3FB4] =	sst s6  }
0xf: {  	[smem:$0x3FB5] =	sst s7  }
0x10: {  	[smem:$0x3FB6] =	sst s8  }
0x11: {  	[smem:$0x3FB7] =	sst s9;
	s0 =	simm.s32 @!p0 $0x0  }
0x12: {  	s1 =	sld [smem:$0x3F9D];
	s0 =	simm.s32 @p0 $0x1  }
0x13: {  	[smem:$0x3FB8] =	sst s0;
	s0 =	simm.s32 @!p1 $0x0  }
0x14: {  	s2 =	sld [smem:$0x3F9C];
	s0 =	simm.s32 @p1 $0x1  }
0x15: {  	[smem:$0x3FB9] =	sst s0;
	s0 =	simm.s32 @!p2 $0x0  }
0x16: {  	s3 =	sld [smem:$0x3FDB];
	s0 =	simm.s32 @p2 $0x1  }
0x17: {  	s4 =	simm.s32 $0x1BF5;
	[smem:$0x3FBB] =	sst s0  }
0x18: {  	s0 =	sld [smem:$0x3F9E];
	_ =	swait.ge [sflag:s4], $0x0  }
0x19: {  	s7 =	sld [smem:$0x3F9F]  }
0x1a: {  	s8 =	sadd.s32 $0xFFFFE003, lr  }
0x1b: {  	s9 =	sadd.s32 $0xFFFFFEF7, lr;
	s5 =	simm.s32 $0xFFFFFFFF;
	p2 =	slt.u32 s8, $0xFFFFF086  }
0x1c: {  	p1 =	slt.u32 s9, $0xF7A;
	s5 =	simm.s32 @!p2 $0x0  }
0x1d: {  	s5 =	simm.s32 @p1 $0x1;
	p0 =	seq.s32 s7, s2  }
0x1e: {  	s7 =	smul.u32 @!p0 $0xF7A, s2;
	p2 =	seq.s32 @!p0 s5, $0x0  }
0x1f: {  	s9 =	smul.u32 $0xF7A, s1;
	s8 =	simm.s32 @!p0 $0x1BF5;
	p2 =	por !p2, p0  }
0x20: {  	[sflag:s8] =	ssyncset.s32 @!p0 $0xFFFFF086;
	s6 =	sadd.s32 @!p0 s3, s7;
	s7 =	simm.s32 @!p0 $0x108  }
0x21: {  	s3 =	sadd.s32 s3, s9;
	s6 =	sadd.s32 @!p0 $0x88, s6;
	s7 =	simm.s32 @p2 $0x1082  }
0x22: {  	[simem:s7], [sflag:s8] =	dma.local @!p0 [hbm:s6], $0xF7A  }
0x23: {  	s9 =	sor.u32 $0xD0000000, s2;
	s6 =	simm.s32 $0x108;
	_ =	swait.ge @!p0 [sflag:s8], $0x0  }
0x24: {  	s3 =	sadd.s32 $0x88, s3;
	s6 =	simm.s32 @!p1 $0x1082;
	[sflag:s4] =	ssyncset.s32 $0xFFFFF086  }
0x25: {  	[simem:s6], [sflag:s4] =	dma.local [hbm:s3], $0xF7A  }
0x26: {  	[smem:$0x3F9F] =	sst s1;
	(tag) =	ssettag s2;
	_ =	strace s9  }
0x27: {  	s1 =	sld [smem:$0x3FAF]  }
0x28: {  	s2 =	sld [smem:$0x3FB0]  }
0x29: {  	s4 =	sld [smem:$0x3FB2]  }
0x2a: {  	p0 =	seq.s32 s5, $0x0;
	s5 =	sld [smem:$0x3FB3]  }
0x2b: {  	s6 =	sld [smem:$0x3FB4]  }
0x2c: {  	s7 =	sld [smem:$0x3FB5]  }
0x2d: {  	s3 =	simm.s32 $0x108;
	s8 =	sld [smem:$0x3FB6]  }
0x2e: {  	s3 =	simm.s32 @!p0 $0x1082;
	s9 =	sld [smem:$0x3FB7]  }
0x2f: {  	lr =	sadd.s32 s0, s3;
	s0 =	sld [smem:$0x3FAE]  }
0x30: {  	s3 =	sld [smem:$0x3FB1]  }
0x31: {  	[smem:$0x3FBA] =	sst s10  }
0x32: {  	s10 =	sld [smem:$0x3FB8];
	_ =	sdelay $0x3  }
0x33: {  	p0 =	seq.s32 s10, $0x1;
	s10 =	sld [smem:$0x3FBA];
	_ =	sdelay $0x3  }
0x34: {  	[smem:$0x3FBA] =	sst s10  }
0x35: {  	s10 =	sld [smem:$0x3FB9];
	_ =	sdelay $0x3  }
0x36: {  	p1 =	seq.s32 s10, $0x1;
	s10 =	sld [smem:$0x3FBA];
	_ =	sdelay $0x3  }
0x37: {  	[smem:$0x3FBA] =	sst s10  }
0x38: {  	s10 =	sld [smem:$0x3FBB]  }
0x39: {  	_ = 	snop;
	(pc) =	sbr.ind lr, $3  }
0x3a: {  	_ = 	snop  }
0x3b: {  	_ = 	snop  }
0x3c: {  	p2 =	seq.s32 s10, $0x1;
	s10 =	sld [smem:$0x3FBA]  }
0x3d: {  	_ =	shalt  }
0x3e: {  	_ =	shalt  }
0x3f: {  	_ =	shalt  }
0x40: {  	_ =	shalt  }
0x41: {  	_ =	shalt  }
0x42: {  	_ =	shalt  }
0x43: {  	_ =	shalt  }
0x44: {  	_ =	shalt  }
0x45: {  	_ =	shalt  }
0x46: {  	_ =	shalt  }
0x47: {  	_ =	shalt  }
0x48: {  	_ =	shalt  }
0x49: {  	_ =	shalt  }
0x4a: {  	_ =	shalt  }
0x4b: {  	_ =	shalt  }
0x4c: {  	_ =	shalt  }
0x4d: {  	_ =	shalt  }
0x4e: {  	_ =	shalt  }
0x4f: {  	_ =	shalt  }
0x50: {  	_ =	shalt  }
0x51: {  	_ =	shalt  }
0x52: {  	_ =	shalt  }
0x53: {  	_ =	shalt  }
0x54: {  	_ =	shalt  }
0x55: {  	_ =	shalt  }
0x56: {  	_ =	shalt  }
0x57: {  	_ =	shalt  }
0x58: {  	_ =	shalt  }
0x59: {  	_ =	shalt  }
0x5a: {  	_ =	shalt  }
0x5b: {  	_ =	shalt  }
0x5c: {  	_ =	shalt  }
0x5d: {  	_ =	shalt  }
0x5e: {  	_ =	shalt  }
0x5f: {  	_ =	shalt  }
0x60: {  	_ =	shalt  }
0x61: {  	_ =	shalt  }
0x62: {  	_ =	shalt  }
0x63: {  	_ =	shalt  }
0x64: {  	_ =	shalt  }
0x65: {  	_ =	shalt  }
0x66: {  	_ =	shalt  }
0x67: {  	_ =	shalt  }
0x68: {  	_ =	shalt  }
0x69: {  	_ =	shalt  }
0x6a: {  	_ =	shalt  }
0x6b: {  	_ =	shalt  }
0x6c: {  	_ =	shalt  }
0x6d: {  	_ =	shalt  }
0x6e: {  	_ =	shalt  }
0x6f: {  	_ =	shalt  }
0x70: {  	_ =	shalt  }
0x71: {  	_ =	shalt  }
0x72: {  	_ =	shalt  }
0x73: {  	_ =	shalt  }
0x74: {  	_ =	shalt  }
0x75: {  	_ =	shalt  }
0x76: {  	_ =	shalt  }
0x77: {  	_ =	shalt  }
0x78: {  	_ =	shalt  }
0x79: {  	_ =	shalt  }
0x7a: {  	_ =	shalt  }
0x7b: {  	_ =	shalt  }
0x7c: {  	_ =	shalt  }
0x7d: {  	_ =	shalt  }
0x7e: {  	_ =	shalt  }
0x7f: {  	_ =	shalt  }
0x80: {  	_ =	shalt  }
0x81: {  	_ =	shalt  }
0x82: {  	_ =	shalt  }
0x83: {  	_ =	shalt  }
0x84: {  	_ =	shalt  }
0x85: {  	_ =	shalt  }
0x86: {  	_ =	shalt  }
0x87: {  	_ =	shalt  }
.Lfunc_end0:
.L_simem_size_0:
called_computation_lowered:
.L_overlay_start_0:
0x88: {  	s0 =	sld [smem:$0x3FD9]  }
0x89: {  	s1 =	sld [smem:$0x3FFE];
	_ =	sdelay $0x3  }
0x8a: {  	s0 =	sadd.s32 s1, s0  }
0x8b: {  	[smem:$0x3FC6] =	sst s0  }
0x8c: {  	_ = 	snop  }
0x8d: {  	s0 =	sld [smem:$0x3FD0];
	(tm) =	ssettm $0x1  }
0x8e: {  	s16 =	sld [smem:$0x3FFB];
	_ =	sdelay $0x3  }
0x8f: {  	_ =	strace s16  }
0x90: {  	s1 =	sld [smem:$0x3FFC];
	_ =	sdelay $0x3  }
0x91: {  	_ =	strace s1  }
0x92: {  	s1 =	sld [smem:$0x3FFD];
	_ =	sdelay $0x3  }
0x93: {  	_ =	strace s1  }
0x94: {  	_ =	strace $0x8FFFFFFF  }
0x95: {  	s17 =	sld [smem:$0x3FDB];
	_ =	sdelay $0x1  }
0x96: {  	s2 =	simm.s32 $_scs_section_size  }
0x97: {  	s3 =	simm.s32 $_size__tile_overlayer_lowered;
	s4 =	simm.s32 $_tile_overlayer_lowered  }
0x98: {  	s20 =	simm.s32 $0x1BFF;
	s19 =	sshll.u32 s4, $0x1;
	s1 =	sadd.s32 s2, s17  }
0x99: {  	s5 =	simm.s32 $0x0;
	s18 =	sshll.u32 s3, $0x1;
	s3 =	sadd.s32 s19, s1  }
0x9a: {  	[timem:s5], [sflag:s20] =	dma.local [hbm:s3], s18  }
0x9b: {  	_ =	swait.ge [sflag:s20], s18  }
0x9c: {  	s2 =	ssub.s32 $0x0, s18;
	[sflag:s20] =	ssyncset.done $0x0  }
0x9d: {  	[sflag:s20] =	ssyncadd.s32 s2;
	_ =	sdelay $0x1  }
0x9e: {  	s21 =	simm.s32 $0x1B8B  }
0x9f: {  	_ =	swait.ge [sflag:s21], $0x1  }
0xa0: {  	[sflag:s21] =	ssyncset.done $0x0  }
0xa1: {  	s23 =	simm.s32 $0x1B8E;
	s22 =	sld [smem:$0x3FFE];
	[sflag:s21] =	ssyncadd.s32 $0xFFFFFFFF  }
0xa2: {  	s24 =	simm.s32 $execute0_lowered;
	[smem:$0x3FD2] =	sst s23  }
0xa3: {  	s3 =	sshll.u32 s24, $0x1;
	_ =	strace $0x80000046;
	[dreg:$0x1] =	wrdreg $0xFFFFFFFF  }
0xa4: {  	s25 =	simm.s32 $_size_execute0_lowered;
	s1 =	sadd.s32 s1, s3;
	[dreg:$0x0] =	wrdreg $0x0  }
0xa5: {  	s3 =	sshll.u32 s25, $0x1;
	[dreg:$0x2] =	wrdreg s1  }
0xa6: {  	[dreg:$0x3] =	wrdreg s3  }
0xa7: {  	[dreg:$0x4] =	wrdreg $0xC0  }
0xa8: {  	_ =	task [dreg:s5], $0x5FFFF  }
0xa9: {  	[dreg:$0x1] =	wrdreg $0xFFFFFFFF  }
0xaa: {  	[dreg:$0x0] =	wrdreg $0x60  }
0xab: {  	[dreg:$0x2] =	wrdreg s0  }
0xac: {  	[dreg:$0x3] =	wrdreg s22  }
0xad: {  	[dreg:$0x4] =	wrdreg $0x9  }
0xae: {  	_ =	task.clear_ibuf [dreg:s5], $0x5FFFF;
	_ =	strace $0x90000046  }
0xaf: {  	s26 =	simm.s32 $0x9;
	_ =	strace $0x80000048  }
0xb0: {  	_ =	swait.ge [sflag:s26], $0x1  }
0xb1: {  	[sflag:s26] =	ssyncadd.s32 $0xFFFFFFFF  }
0xb2: {  	_ =	strace $0x90000048  }
0xb3: {  	_ =	sfence  }
0xb4: {  	s28 =	sld [smem:$0x0];
	_ =	sdelay $0x1  }
0xb5: {  	s29 =	srdreg.scid  }
0xb6: {  	s30 =	sshll.u32 s29, $0xD;
	s31 =	sshrl.u32 s29, $0x2  }
0xb7: {  	s2 =	sand.u32 $0x4000, s30;
	s1 =	sand.u32 $0x1, s29;
	s0 =	sadd.s32 s31, s28  }
0xb8: {  	s1 =	sor.u32 s2, s1;
	s0 =	sshll.u32 s0, $0x11  }
0xb9: {  	s0 =	sor.u32 s0, s1  }
0xba: {  	s0 =	sadd.s32 $0x8F2B, s0  }
0xbb: {  	[sflag:s0] =	ssyncadd.remote.s32 $0x1  }
0xbc: {  	_ =	sfence.sel $0xFFFF  }
0xbd: {  	[dreg:$0x0] =	wrdreg $0xFFFFFFFF;
	(pc) =	sbr.abs _section_cstart, $3  }
0xbe: {  	[dreg:$0x1] =	wrdreg $0xFFFFFFFF  }
0xbf: {  	_ =	task.clear_ibuf [dreg:s5], $0x2FFFF;
	_ =	strace $0x9FFFFFFF  }
0xc0: {  	(tm) =	ssettm $0x7FFFFFFF  }
0xc1: {  	_ =	shalt  }
tec
execute0_lowered:
.L_overlay_start_1:
0x0: {  	(tag) =	ssettag $0x1  }
0x1: {  	s1 =	rddreg [dreg:$0x0]  }
0x2: {  	s4 =	rddreg [dreg:$0x1]  }
0x3: {  	s0 =	rddreg [dreg:$0x2]  }
0x4: {  	s3 =	stileid.u32;
	_ =	strace $0x80000047;
	s5 =	simm.s32 $0x3E  }
0x5: {  	p0 =	sne.s32 s3, $0x0;
	[sflag:s5] =	ssyncpa.u1 $0x0  }
0x6: {  	s31 =	smin.u32 s3, $0x9;
	s6 =	simm.s32 @!p0 $0x1C3E;
	s2 =	simm.s32 @!p0 $0x0  }
0x7: {  	[spmem:s2], [sflag:s6] =	dma.local @!p0 [hbm:s1], $0x40  }
0x8: {  	p1 =	slt.u32 s3, $0x9;
	s6 =	sadd.s32 s3, s31;
	s3 =	simm.s32 $0x20  }
0x9: {  	s6 =	sshll.u32 s6, $0x4;
	s3 =	simm.s32 @!p1 $0x10  }
0xa: {  	s3 =	sadd.s32 s3, s6  }
0xb: {  	s9 =	smin.u32 s3, $0x190  }
0xc: {  	s8 =	ssub.s32 s9, s6  }
0xd: {  	p1 =	sgt.s32 s8, $0x0  }
0xe: {  	s7 =	simm.s32 @!p0 $0x3E;
	s8 =	simm.s32 @!p1 $0x0  }
0xf: {  	_ =	swait.ge @!p0 [sflag:s7], $0x40;
	s10 =	sshrl.u32 s8, $0x4  }
0x10: {  	[sflag:s7] =	ssyncset.done @!p0 $0x0;
	s11 =	sadd.s32 $0x1, s10  }
0x11: {  	[sflag:s7] =	ssyncadd.s32 @!p0 $0xFFFFFFC0;
	p1 =	sne.s32 s11, $0x1  }
.Ltmp0:
0x12: {  	p3 =	por $0x0, $0x0;
	[bflag:$0x0] =	sbarrier.arrive $0xFFFF;
	(pc) =	sbr.rel @!p1 .LBB2_1-.Ltmp0, $4  }
0x13: {  	s3 =	simm.s32 $0x1;
	s7 =	sadd.s32 $0x200, s4;
	[sflag:s5] =	ssyncpa.u1 $0x1  }
0x14: {  	s5 =	simm.s32 $0x2;
	s8 =	simm.s32 $0x0;
	p2 =	sle.u32 s10, $0x0  }
0x15: {  	[sflag:s3] =	ssyncpa.u1 $0x0;
	(ifvalue) =	ssetifvalue $0x200;
	s12 =	sxor.u32 @!p2 $0xFFFFFFFF, s8  }
0x16: {  	[sflag:s5] =	ssyncpa.u1 $0x0;
	s15 =	sshrl.u32 @!p2 s6, $0x3;
	s16 =	sand.u32 @!p2 $0x10, s12  }
0x17: {  	s12 =	sadd.s32 @!p2 s4, s15  }
0x18: {  	s13 =	sor.u32 @!p2 $0x20, s16;
	s14 =	sand.u32 @!p2 $0x7, s6;
	p1 =	por $0x1, $0x1  }
0x19: {  	[tilespmem:s13], [sflag:$0x2] =	stream.linear.gather @!p2 [hbm4b:s12+s14], $0x10, $0x38;
	[tilespmem:$0x60] =	vst v63  }
0x1a: {  	s15 =	sadd.s32 @!p2 s7, s15;
	s12 =	sor.u32 @!p2 $0x40, s16;
	s13 =	simm.s32 @!p1 $0x2  }
0x1b: {  	[tilespmem:s12], [sflag:$0x2] =	stream.linear.gather @!p2 [hbm4b:s15+s14], $0x10, $0x38;
	[tilespmem:$0x60] =	vst v63  }
0x1c: {  	_ =	swait.ge @!p1 [sflag:s13], $0x20  }
0x1d: {  	s8 =	sand.u32 @!p1 $0x10, s8;
	[sflag:s13] =	ssyncset.done @!p1 $0x0  }
0x1e: {  	s12 =	sor.u32 @!p1 $0x20, s8;
	[sflag:s13] =	ssyncadd.s32 @!p1 $0xFFFFFFE0  }
0x1f: {  	v0 =	vld.msk @!p1 [tilespmem:s12+$0x0 ss:$0x1], $0xffff;
	_ =	sdelay $0x3  }
0x20: {  	p4 =	sne.s32 s11, $0x2  }
.Ltmp1:
0x21: {  	s18 =	simm.s32 @!p1 $0x0;
	s17 =	simm.s32 @!p1 $0x1;
	v0 =	vmin.u32 @!p1 v0, $0x200;
	(pc) =	sbr.rel @!p4 .LBB2_3-.Ltmp1, $4  }
0x22: {  	s15 =	sadd.s32 $0x10, s6;
	p2 =	sle.u32 s10, $0x1;
	s14 =	smov.u32 s6  }
0x23: {  	p3 =	slt.s32 s15, s9;
	s13 =	sor.u32 @!p1 $0x40, s8;
	s8 =	simm.s32 $0x10  }
0x24: {  	s14 =	smov.u32 @p3 s15;
	p3 =	por $0x1, $0x1;
	s16 =	sxor.u32 @!p2 $0xFFFFFFFF, s8  }
0x25: {  	vm0 =	vmmov @!p1 $0xffff;
	s15 =	sshrl.u32 @!p2 s14, $0x3;
	s12 =	simm.s32 $0x2;
	s16 =	sand.u32 @!p2 $0x10, s16  }
.LBB2_4:
0x26: {  	[spmem:s18] =	stream.indirect_vreg.scatter.add.s32 @!p1 [tilespmem:s13], [sflag:$0x1], $0x1, v0, vm0, $0x4038;
	[tilespmem:$0x60] =	vst v63  }
0x27: {  	s13 =	sadd.s32 @!p2 s4, s15;
	s18 =	sor.u32 @!p2 $0x20, s16;
	_ =	swait.ge @!p1 [sflag:s17], $0x10  }
0x28: {  	s19 =	smov.u32 s12;
	s12 =	sadd.s32 $0x1, s12;
	[sflag:s17] =	ssyncset.done @!p1 $0x0  }
0x29: {  	s20 =	sand.u32 @!p2 $0x7, s14;
	[sflag:s17] =	ssyncadd.s32 @!p1 $0xFFFFFFF0;
	p1 =	seq.s32 s8, $0x0  }
0x2a: {  	[tilespmem:s18], [sflag:$0x2] =	stream.linear.gather @!p2 [hbm4b:s13+s20], $0x10, $0x38;
	[tilespmem:$0x60] =	vst v63  }
0x2b: {  	s16 =	sor.u32 @!p2 $0x40, s16;
	s17 =	simm.s32 @!p1 $0x2;
	s13 =	sand.u32 @!p1 $0x10, s8  }
0x2c: {  	s15 =	sadd.s32 @!p2 s7, s15;
	s18 =	sor.u32 @!p1 $0x20, s13;
	s13 =	sor.u32 @!p1 $0x40, s13  }
0x2d: {  	[tilespmem:s16], [sflag:$0x2] =	stream.linear.gather @!p2 [hbm4b:s15+s20], $0x10, $0x38;
	[tilespmem:$0x60] =	vst v63  }
0x2e: {  	p4 =	sne.s32 s11, s12;
	_ =	swait.ge @!p1 [sflag:s17], $0x20  }
0x2f: {  	[sflag:s17] =	ssyncset.done @!p1 $0x0  }
0x30: {  	[sflag:s17] =	ssyncadd.s32 @!p1 $0xFFFFFFE0  }
0x31: {  	v0 =	vld.msk @!p1 [tilespmem:s18+$0x0 ss:$0x1], $0xffff;
	_ =	sdelay $0x5  }
.Ltmp2:
0x32: {  	s8 =	sadd.s32 $0x10, s8;
	v0 =	vmin.u32 @!p1 v0, $0x200;
	(pc) =	sbr.rel @p4 .LBB2_4-.Ltmp2, $4  }
0x33: {  	vm0 =	vmmov @!p1 $0xffff;
	s15 =	sadd.s32 $0x10, s14;
	p2 =	sge.u32 s19, s10;
	s18 =	simm.s32 @!p1 $0x0  }
0x34: {  	s14 =	smov.u32 s6;
	p5 =	slt.s32 s15, s9;
	s17 =	simm.s32 @!p1 $0x1  }
0x35: {  	s16 =	sxor.u32 @!p2 $0xFFFFFFFF, s8;
	s14 =	smov.u32 @p5 s15  }
0x36: {  	s16 =	sand.u32 @!p2 $0x10, s16;
	s15 =	sshrl.u32 @!p2 s14, $0x3  }
0x37: {  	s6 =	smov.u32 s14  }
.LBB2_6:
0x38: {  	_ =	sdelay $0x2  }
0x39: {  	p3 =	por p1, !p3  }
0x3a: {  	[spmem:s18] =	stream.indirect_vreg.scatter.add.s32 @!p3 [tilespmem:s13], [sflag:$0x1], $0x1, v0, vm0, $0x4038;
	[tilespmem:$0x60] =	vst v63  }
0x3b: {  	_ =	swait.ge @!p3 [sflag:s17], $0x10  }
0x3c: {  	s4 =	sadd.s32 @!p2 s4, s15;
	s9 =	sor.u32 @!p2 $0x20, s16;
	[sflag:s17] =	ssyncset.done @!p3 $0x0  }
0x3d: {  	s6 =	sand.u32 @!p2 $0x7, s6;
	p1 =	seq.s32 s8, $0x0;
	[sflag:s17] =	ssyncadd.s32 @!p3 $0xFFFFFFF0  }
0x3e: {  	[tilespmem:s9], [sflag:$0x2] =	stream.linear.gather @!p2 [hbm4b:s4+s6], $0x10, $0x38;
	[tilespmem:$0x60] =	vst v63  }
0x3f: {  	s7 =	sadd.s32 @!p2 s7, s15;
	s4 =	sor.u32 @!p2 $0x40, s16;
	s9 =	simm.s32 @!p1 $0x2  }
0x40: {  	[tilespmem:s4], [sflag:$0x2] =	stream.linear.gather @!p2 [hbm4b:s7+s6], $0x10, $0x38;
	[tilespmem:$0x60] =	vst v63  }
0x41: {  	_ =	swait.ge @!p1 [sflag:s9], $0x20  }
0x42: {  	s4 =	sand.u32 @!p1 $0x10, s8;
	[sflag:s9] =	ssyncset.done @!p1 $0x0  }
0x43: {  	s6 =	sor.u32 @!p1 $0x20, s4;
	[sflag:s9] =	ssyncadd.s32 @!p1 $0xFFFFFFE0  }
0x44: {  	v0 =	vld.msk @!p1 [tilespmem:s6+$0x0 ss:$0x1], $0xffff;
	_ =	sdelay $0x4  }
0x45: {  	v0 =	vmin.u32 @!p1 v0, $0x200;
	_ =	sdelay $0x3  }
0x46: {  	vm0 =	vmmov @!p1 $0xffff;
	s7 =	simm.s32 @!p1 $0x1;
	s4 =	sor.u32 @!p1 $0x40, s4;
	s6 =	simm.s32 @!p1 $0x0  }
0x47: {  	[spmem:s6] =	stream.indirect_vreg.scatter.add.s32 @!p1 [tilespmem:s4], [sflag:$0x1], $0x1, v0, vm0, $0x4038;
	[tilespmem:$0x60] =	vst v63  }
0x48: {  	_ =	swait.ge @!p1 [sflag:s7], $0x10  }
0x49: {  	[sflag:s7] =	ssyncset.done @!p1 $0x0  }
0x4a: {  	[sflag:s7] =	ssyncadd.s32 @!p1 $0xFFFFFFF0  }
0x4b: {  	_ =	sfence.sel $0x180000  }
0x4c: {  	[bflag:$0x0] =	sbarrier.arrive $0xFFFF  }
0x4d: {  	[sflag:s5] =	ssyncpa.u1 $0x1  }
0x4e: {  	[sflag:s3] =	ssyncpa.u1 $0x1  }
0x4f: {  	_ =	sfence.stream.spmem  }
0x50: {  	s31 =	simm.s32 $0x3D;
	[bflag:$0x0] =	sbarrier.arrive $0xFFFF  }
0x51: {  	s3 =	simm.s32 @p0 $0x3D;
	[sflag:s31] =	ssyncpa.u1 $0x0  }
0x52: {  	[sflag:s3] =	ssyncpa.u1 @p0 $0x1  }
0x53: {  	[bflag:$0x0] =	sbarrier.arrive @p0 $0xFFFF  }
0x54: {  	_ =	strace @p0 $0x90000047  }
0x55: {  	s3 =	simm.s32 @!p0 $0x1C3D;
	[bflag:$0x2] =	sbarrier.arrive @p0 $0xFFFF  }
0x56: {  	[hbm:s1], [sflag:s3] =	dma.local @!p0 [spmem:s2], $0x40  }
0x57: {  	s1 =	simm.s32 @!p0 $0x3D  }
0x58: {  	_ =	swait.ge @!p0 [sflag:s1], $0x40  }
0x59: {  	[sflag:s1] =	ssyncset.done @!p0 $0x0  }
0x5a: {  	[sflag:s1] =	ssyncadd.s32 @!p0 $0xFFFFFFC0  }
0x5b: {  	[sflag:s1] =	ssyncpa.u1 @!p0 $0x1  }
0x5c: {  	[bflag:$0x0] =	sbarrier.arrive @!p0 $0xFFFF  }
0x5d: {  	_ =	strace @!p0 $0x90000047  }
0x5e: {  	s0 =	sadd.s32 @!p0 $0x100000, s0;
	[bflag:$0x2] =	sbarrier.arrive @!p0 $0xFFFF  }
0x5f: {  	[sflag:s0] =	ssyncadd.tile.s32 @!p0 $0x1;
	_ =	shalt  }
.LBB2_1:
.Ltmp3:
0x60: {  	(pc) =	sbr.rel .LBB2_6-.Ltmp3, $2  }
0x61: {  	_ =	sdelay $0x2  }
0x62: {  	_ = 	snop  }
.LBB2_3:
.Ltmp4:
0x63: {  	(pc) =	sbr.rel .LBB2_6-.Ltmp4, $2  }
0x64: {  	_ =	sdelay $0x2  }
0x65: {  	s6 =	smov.u32 s14  }
.Lfunc_end2:
_tile_overlayer_lowered:
.L_overlay_start_2:
0x66: {  	(tag) =	ssettag $0x2  }
0x67: {  	s0 =	rddreg [dreg:$0x0];
	s2 =	stileid.u32  }
0x68: {  	s1 =	rddreg [dreg:$0x1];
	p0 =	sne.s32 s2, $0x0  }
0x69: {  	s3 =	rddreg [dreg:$0x2];
	[bflag:$0x3] =	sbarrier.arrive $0xFFFF;
	s2 =	simm.s32 @!p0 $0x1C01  }
0x6a: {  	[timem:s3], [sflag:s2] =	dma.local @!p0 [hbm:s0], s1  }
0x6b: {  	s0 =	simm.s32 @!p0 $0x1  }
0x6c: {  	_ =	swait.ge @!p0 [sflag:s0], s1  }
0x6d: {  	s1 =	ssub.s32 @!p0 $0x0, s1;
	[sflag:s0] =	ssyncset.done @!p0 $0x0  }
0x6e: {  	[sflag:s0] =	ssyncadd.s32 @!p0 s1  }
0x6f: {  	[bflag:$0x3] =	sbarrier.arrive $0xFFFF  }
0x70: {  	_ =	shalt  }

</sc_bundles>
